<compile_context>
chip_gen: v7x
topology: tpu7x:2x2x1
jax: 0.10.2.dev20260603
libtpu: 0.0.44.dev20260713+nightly
codegen_flags: <defaults>
</compile_context>

<pallas_src>
import functools

import jax
import jax.numpy as jnp
from jax import lax
from jax.experimental import pallas as pl
from jax.experimental.pallas import tpu as pltpu
from jax.experimental.pallas import tpu_sc as plsc

E = 8
TOP_K = 2
D = 1024
DFF = 4096
T = 2048
A = T * TOP_K
BT = 256
G = A // BT + E
P = G * BT
NW = 32

_INV_SQRT2 = 0.7071067811865476


def _gelu(v):
    return 0.5 * v * (1.0 + jax.lax.erf(v * _INV_SQRT2))



def _router_body(x_ref, gw_ref, gb_ref, logits_ref, sel_ref, w_ref, rank_ref,
                 cnt_ref):
    h = x_ref[...]
    logits = jnp.dot(h, gw_ref[...], preferred_element_type=jnp.float32)
    logits = logits + gb_ref[...]
    logits_ref[...] = logits
    e_iota = jax.lax.broadcasted_iota(jnp.int32, (T, E), 1)
    m0 = jnp.max(logits, axis=1, keepdims=True)
    s0 = jnp.min(jnp.where(logits == m0, e_iota, E), axis=1, keepdims=True)
    masked = jnp.where(e_iota == s0, -jnp.inf, logits)
    m1 = jnp.max(masked, axis=1, keepdims=True)
    s1 = jnp.min(jnp.where(masked == m1, e_iota, E), axis=1, keepdims=True)
    t = jnp.exp(m1 - m0)
    w0 = 1.0 / (1.0 + t)
    w1 = 1.0 - w0
    pair = jax.lax.broadcasted_iota(jnp.int32, (T, 2), 1)
    sel_ref[...] = jnp.where(pair == 0, s0, s1)
    w_ref[...] = jnp.where(pair == 0, w0, w1)
    cnt = (jnp.where(e_iota == s0, 1.0, 0.0)
           + jnp.where(e_iota == s1, 1.0, 0.0))
    r_iota = jax.lax.broadcasted_iota(jnp.int32, (T, T), 0)
    c_iota = jax.lax.broadcasted_iota(jnp.int32, (T, T), 1)
    tri = jnp.where(c_iota < r_iota, 1.0, 0.0)
    c_lt = jnp.dot(tri, cnt, preferred_element_type=jnp.float32)
    r0 = jnp.sum(jnp.where(e_iota == s0, c_lt, 0.0), axis=1, keepdims=True)
    r1 = jnp.sum(jnp.where(e_iota == s1, c_lt, 0.0), axis=1, keepdims=True)
    rank_ref[...] = jnp.where(pair == 0, r0, r1).astype(jnp.int32)
    cnt_ref[...] = jnp.sum(cnt, axis=0, keepdims=True).astype(jnp.int32)


def _router(x2d, gate_w, gate_b):
    return pl.pallas_call(
        _router_body,
        out_shape=(
            jax.ShapeDtypeStruct((T, E), jnp.float32),
            jax.ShapeDtypeStruct((T, 2), jnp.int32),
            jax.ShapeDtypeStruct((T, 2), jnp.float32),
            jax.ShapeDtypeStruct((T, 2), jnp.int32),
            jax.ShapeDtypeStruct((1, E), jnp.int32),
        ),
        compiler_params=pltpu.CompilerParams(
            vmem_limit_bytes=120 * 1024 * 1024),
    )(x2d, gate_w, gate_b.reshape(1, E))



def _dispatch(sel, wts, rank, n_e):
    a_e = sel.reshape(-1)
    a_w = wts.reshape(-1)
    rank = rank.reshape(-1)
    nblk = (n_e + BT - 1) // BT
    cblk = jnp.cumsum(nblk)
    off_blk = jnp.concatenate([jnp.zeros(1, cblk.dtype), cblk[:-1]])
    onehot = (a_e[:, None] == jnp.arange(E, dtype=jnp.int32)[None, :])
    off_a = jnp.sum(onehot * off_blk[None, :], axis=1)
    pos = (off_a * BT + rank).astype(jnp.int32)
    tok = (jnp.arange(A, dtype=jnp.int32) // TOP_K)
    pad_rows = (jnp.arange(P, dtype=jnp.int32) % T).astype(jnp.float32)
    base_init = jnp.stack([pad_rows, jnp.zeros((P,), jnp.float32)], axis=1)
    packed = base_init.at[pos].set(
        jnp.stack([tok.astype(jnp.float32), a_w], axis=1))
    idx_gather = packed[:, 0].astype(jnp.int32)
    w_sorted = packed[:, 1:2]
    total = cblk[-1]
    gids = jnp.arange(G, dtype=cblk.dtype)
    eb = jnp.searchsorted(cblk, gids, side="right")
    valid = (gids < total).astype(jnp.int32)
    last = jnp.maximum(total - 1, 0)
    we_idx = jnp.where(valid == 1, jnp.minimum(eb, E - 1), eb[last])
    we_idx = we_idx.astype(jnp.int32)
    xb_idx = jnp.where(valid == 1, gids, last).astype(jnp.int32)
    pos_ab = jnp.concatenate([pos[0::2], pos[1::2]])
    return idx_gather, w_sorted, we_idx, xb_idx, valid, pos_ab



@functools.lru_cache(maxsize=None)
def _make_row_gather(n_out, chunk):
    per_w = n_out // NW
    assert per_w % chunk == 0 and per_w % 8 == 0
    nch = per_w // chunk
    mesh = plsc.VectorSubcoreMesh(core_axis_name="c", subcore_axis_name="s")

    @functools.partial(
        pl.kernel,
        mesh=mesh,
        out_type=jax.ShapeDtypeStruct((n_out, D), jnp.float32),
        scratch_types=[
            pltpu.VMEM((per_w,), jnp.int32),
            pltpu.VMEM((chunk, D), jnp.float32),
            pltpu.VMEM((chunk, D), jnp.float32),
            pltpu.SemaphoreType.DMA,
            pltpu.SemaphoreType.DMA,
            pltpu.SemaphoreType.DMA,
            pltpu.SemaphoreType.DMA,
        ],
    )
    def gather_k(src_hbm, idx_hbm, out_hbm, idx_v, buf0, buf1, g0, g1, s0, s1):
        wid = lax.axis_index("s") * 2 + lax.axis_index("c")
        base = wid * per_w
        bufs = (buf0, buf1)
        gsem = (g0, g1)
        ssem = (s0, s1)
        pltpu.sync_copy(idx_hbm.at[pl.ds(base, per_w)], idx_v)

        def gstart(c):
            b = c & 1
            return pltpu.async_copy(
                src_hbm.at[idx_v.at[pl.ds(c * chunk, chunk)]], bufs[b], gsem[b])

        gathers = {0: gstart(0)}
        stores = {}
        for c in range(nch):
            b = c & 1
            if c + 1 < nch:
                if c - 1 >= 0:
                    stores[c - 1].wait()
                gathers[c + 1] = gstart(c + 1)
            gathers[c].wait()
            stores[c] = pltpu.async_copy(
                bufs[b], out_hbm.at[pl.ds(base + c * chunk, chunk)], ssem[b])
        stores[nch - 1].wait()
        if nch >= 2:
            stores[nch - 2].wait()

    return gather_k



def _moe_body(we_ref, xb_ref, vld_ref, x_ref, w1_ref, b1_ref, w2_ref, b2_ref,
              ws_ref, out_ref):
    g = pl.program_id(0)

    @pl.when(vld_ref[g] == 1)
    def _():
        h1 = jnp.dot(x_ref[...], w1_ref[0], preferred_element_type=jnp.float32)
        h1 = _gelu(h1 + b1_ref[0])
        y = jnp.dot(h1, w2_ref[0], preferred_element_type=jnp.float32)
        out_ref[...] = (y + b2_ref[0]) * ws_ref[...]


def _moe_ffn(x_sorted, w_sorted, we_idx, xb_idx, valid, w1, b1, w2, b2):
    grid_spec = pltpu.PrefetchScalarGridSpec(
        num_scalar_prefetch=3,
        grid=(G,),
        in_specs=[
            pl.BlockSpec((BT, D), lambda g, we, xb, vld: (xb[g], 0)),
            pl.BlockSpec((1, D, DFF), lambda g, we, xb, vld: (we[g], 0, 0)),
            pl.BlockSpec((1, 1, DFF), lambda g, we, xb, vld: (we[g], 0, 0),
                         pipeline_mode=pl.Buffered(buffer_count=1)),
            pl.BlockSpec((1, DFF, D), lambda g, we, xb, vld: (we[g], 0, 0),
                         pipeline_mode=pl.Buffered(buffer_count=1)),
            pl.BlockSpec((1, 1, D), lambda g, we, xb, vld: (we[g], 0, 0),
                         pipeline_mode=pl.Buffered(buffer_count=1)),
            pl.BlockSpec((BT, 1), lambda g, we, xb, vld: (xb[g], 0)),
        ],
        out_specs=pl.BlockSpec((BT, D), lambda g, we, xb, vld: (g, 0)),
    )
    return pl.pallas_call(
        _moe_body,
        grid_spec=grid_spec,
        out_shape=jax.ShapeDtypeStruct((P, D), jnp.float32),
        compiler_params=pltpu.CompilerParams(
            dimension_semantics=("arbitrary",),
            vmem_limit_bytes=120 * 1024 * 1024,
        ),
    )(we_idx, xb_idx, valid, x_sorted, w1, b1.reshape(E, 1, DFF), w2,
      b2.reshape(E, 1, D), w_sorted)



def _add_body(a_ref, b_ref, o_ref):
    o_ref[...] = a_ref[...] + b_ref[...]


def _pair_add(ab):
    nblk = 4
    return pl.pallas_call(
        _add_body,
        grid=(nblk,),
        in_specs=[
            pl.BlockSpec((T // nblk, D), lambda i: (i, 0)),
            pl.BlockSpec((T // nblk, D), lambda i: (i + nblk, 0)),
        ],
        out_specs=pl.BlockSpec((T // nblk, D), lambda i: (i, 0)),
        out_shape=jax.ShapeDtypeStruct((T, D), jnp.float32),
    )(ab, ab)


@jax.jit
def kernel(x, gate_w, gate_b, w1, b1, w2, b2):
    bsz, seq, dim = x.shape
    h = x.reshape(-1, dim)
    logits, sel, wts, rank, cnt = _router(h, gate_w, gate_b)
    idx_gather, w_sorted, we_idx, xb_idx, valid, pos_ab = _dispatch(
        sel, wts, rank, cnt[0])
    x_sorted = _make_row_gather(P, 48)(h, idx_gather)
    y = _moe_ffn(x_sorted, w_sorted, we_idx, xb_idx, valid, w1, b1, w2, b2)
    out_ab = _make_row_gather(2 * T, 32)(y, pos_ab)
    final = _pair_add(out_ab)
    return final.reshape(bsz, seq, dim), logits

# --- scband reference (transcript-rebuilt; emitter-appended) ---
"""Pipeline reference for scband-sparse-moe-66606352826417 (READ-ONLY COPY).

The authoritative reference and input builder live on the scoring server;
editing this copy changes nothing except your own understanding.
"""

import jax, jax.numpy as jnp
import numpy as np

E = 8
TOP_K = 2
D = 1024
DFF = 4 * D
B, S = 1, 2048


def setup_inputs(seed: int = 0) -> dict:
    key = jax.random.key(seed)
    ks = jax.random.split(key, 8)
    x = jax.random.normal(ks[0], (B, S, D), dtype=jnp.float32)
    gate_w = jax.random.normal(ks[1], (D, E), dtype=jnp.float32) * 0.02
    gate_b = jnp.zeros((E,), dtype=jnp.float32)
    w1 = jax.random.normal(ks[2], (E, D, DFF), dtype=jnp.float32) * 0.02
    b1 = jnp.zeros((E, DFF), dtype=jnp.float32)
    w2 = jax.random.normal(ks[3], (E, DFF, D), dtype=jnp.float32) * 0.02
    b2 = jnp.zeros((E, D), dtype=jnp.float32)
    return {"x": x, "gate_w": gate_w, "gate_b": gate_b,
            "w1": w1, "b1": b1, "w2": w2, "b2": b2}


def reference(x, gate_w, gate_b, w1, b1, w2, b2):
    batch_size, seq_len, hidden_dim = x.shape
    h = x.reshape(-1, hidden_dim)
    T = h.shape[0]
    # Router (MOERouter.forward)
    router_logits = h @ gate_w + gate_b
    routing_probs = jax.nn.softmax(router_logits.astype(jnp.float32), axis=-1)
    router_weights, selected_experts = jax.lax.top_k(routing_probs, TOP_K)
    router_weights = router_weights / jnp.sum(router_weights, axis=-1, keepdims=True)
    router_weights = router_weights.astype(h.dtype)
    # Dense per-token-per-expert weight matrix (0 where expert not selected).
    # Mathematically identical to the torch index_add over selected tokens.
    w_dense = jnp.zeros((T, E), dtype=h.dtype).at[
        jnp.arange(T)[:, None], selected_experts
    ].add(router_weights)
    final = jnp.zeros_like(h)
    for e in range(E):
        he = jax.nn.gelu(h @ w1[e] + b1[e], approximate=False)
        he = he @ w2[e] + b2[e]
        final = final + he * w_dense[:, e:e + 1]
    final = final.reshape(batch_size, seq_len, hidden_dim)
    return final, router_logits

if __name__ == "__main__":
    import jax
    _d = setup_inputs()
    print(jax.jit(kernel)(*tuple(_d.values())))

</pallas_src>

<mosaic_0001>
#map = affine_map<(d0, d1) -> (0, 0)>
#map1 = affine_map<(d0, d1) -> (0)>
module attributes {stable_mosaic.version = 14 : i64} {
  func.func @gather_k(%arg0: i32, %arg1: i32, %arg2: memref<2048x1024xf32, #tpu.memory_space<hbm>>, %arg3: memref<6144xi32, #tpu.memory_space<hbm>>, %arg4: memref<6144x1024xf32, #tpu.memory_space<hbm>>, %arg5: memref<192xi32, #tpu.memory_space<vmem>>, %arg6: memref<48x1024xf32, #tpu.memory_space<vmem>>, %arg7: memref<48x1024xf32, #tpu.memory_space<vmem>>, %arg8: memref<!tpu.dma_semaphore, #tpu.memory_space<semaphore_mem>>, %arg9: memref<!tpu.dma_semaphore, #tpu.memory_space<semaphore_mem>>, %arg10: memref<!tpu.dma_semaphore, #tpu.memory_space<semaphore_mem>>, %arg11: memref<!tpu.dma_semaphore, #tpu.memory_space<semaphore_mem>>) attributes {dimension_semantics = [#tpu.dimension_semantics<core_parallel>, #tpu.dimension_semantics<subcore_parallel>], iteration_bounds = array<i64: 2, 16>, scalar_prefetch = 0 : i64, scratch_operands = 7 : i64, tpu.core_type = #tpu.core_type<sc_vector_subcore>, window_params = [{transform_indices = #map}, {transform_indices = #map1}, {transform_indices = #map}]} {
    %mul3A = arith.constant 2 : i32
    %mul3A_0 = arith.muli %arg1, %mul3A : i32
    %add3A = arith.addi %mul3A_0, %arg0 : i32
    %mul3A_1 = arith.constant 192 : i32
    %mul3A_2 = arith.muli %add3A, %mul3A_1 : i32
    "tpu.region"() ({
      %run_scoped3A = tpu.sem_alloc : memref<!tpu.dma_semaphore, #tpu.memory_space<semaphore_mem>>
      %dma_start3A_81 = tpu.memref_slice %arg3[%mul3A_2] : memref<6144xi32, #tpu.memory_space<hbm>> -> memref<192xi32, #tpu.memory_space<hbm>>
      %dma_start3A_82 = tpu.memref_slice %arg3[%mul3A_2] : memref<6144xi32, #tpu.memory_space<hbm>> -> memref<192xi32, #tpu.memory_space<hbm>>
      tpu.enqueue_dma source(%dma_start3A_82 : memref<192xi32, #tpu.memory_space<hbm>>) target(%arg5 : memref<192xi32, #tpu.memory_space<vmem>>) target_semaphore(%run_scoped3A : memref<!tpu.dma_semaphore, #tpu.memory_space<semaphore_mem>>)
      %dma_wait3A_83 = tpu.memref_slice %arg3[%mul3A_2] : memref<6144xi32, #tpu.memory_space<hbm>> -> memref<192xi32, #tpu.memory_space<hbm>>
      %dma_wait3A_84 = tpu.memref_slice %arg3[%mul3A_2] : memref<6144xi32, #tpu.memory_space<hbm>> -> memref<192xi32, #tpu.memory_space<hbm>>
      tpu.wait_dma2 semaphore(%run_scoped3A : memref<!tpu.dma_semaphore, #tpu.memory_space<semaphore_mem>>) src(%dma_wait3A_84 : memref<192xi32, #tpu.memory_space<hbm>>) dst(%arg5 : memref<192xi32, #tpu.memory_space<vmem>>)
      tpu.yield
    }) : () -> ()
    %dma_start3A = arith.constant 0 : i32
    %dma_start3A_3 = tpu.memref_slice %arg5[%dma_start3A] : memref<192xi32, #tpu.memory_space<vmem>> -> memref<48xi32, #tpu.memory_space<vmem>>
    %dma_start3A_4 = arith.constant 0 : i32
    %dma_start3A_5 = arith.constant 0 : i32
    %dma_start3A_6 = tpu.memref_slice %arg2[%dma_start3A_4, %dma_start3A_5] : memref<2048x1024xf32, #tpu.memory_space<hbm>> -> memref<2048x1024xf32, #tpu.memory_space<hbm>>
    tpu.enqueue_indirect_dma source(%dma_start3A_6 : memref<2048x1024xf32, #tpu.memory_space<hbm>>) target(%arg6 : memref<48x1024xf32, #tpu.memory_space<vmem>>) offsets(%dma_start3A_3 : memref<48xi32, #tpu.memory_space<vmem>>) semaphore(%arg8 : memref<!tpu.dma_semaphore, #tpu.memory_space<semaphore_mem>>)
    %dma_start3A_7 = arith.constant 48 : i32
    %dma_start3A_8 = tpu.memref_slice %arg5[%dma_start3A_7] : memref<192xi32, #tpu.memory_space<vmem>> -> memref<48xi32, #tpu.memory_space<vmem>>
    %dma_start3A_9 = arith.constant 0 : i32
    %dma_start3A_10 = arith.constant 0 : i32
    %dma_start3A_11 = tpu.memref_slice %arg2[%dma_start3A_9, %dma_start3A_10] : memref<2048x1024xf32, #tpu.memory_space<hbm>> -> memref<2048x1024xf32, #tpu.memory_space<hbm>>
    tpu.enqueue_indirect_dma source(%dma_start3A_11 : memref<2048x1024xf32, #tpu.memory_space<hbm>>) target(%arg7 : memref<48x1024xf32, #tpu.memory_space<vmem>>) offsets(%dma_start3A_8 : memref<48xi32, #tpu.memory_space<vmem>>) semaphore(%arg9 : memref<!tpu.dma_semaphore, #tpu.memory_space<semaphore_mem>>)
    %dma_wait3A = arith.constant 0 : i32
    %dma_wait3A_12 = tpu.memref_slice %arg5[%dma_wait3A] : memref<192xi32, #tpu.memory_space<vmem>> -> memref<48xi32, #tpu.memory_space<vmem>>
    %dma_wait3A_13 = arith.constant 0 : i32
    %dma_wait3A_14 = arith.constant 0 : i32
    %dma_wait3A_15 = tpu.memref_slice %arg2[%dma_wait3A_13, %dma_wait3A_14] : memref<2048x1024xf32, #tpu.memory_space<hbm>> -> memref<2048x1024xf32, #tpu.memory_space<hbm>>
    tpu.wait_indirect_dma semaphore(%arg8 : memref<!tpu.dma_semaphore, #tpu.memory_space<semaphore_mem>>) src(%dma_wait3A_15 : memref<2048x1024xf32, #tpu.memory_space<hbm>>) dst(%arg6 : memref<48x1024xf32, #tpu.memory_space<vmem>>)
    %add3A_16 = arith.constant 0 : i32
    %add3A_17 = arith.addi %mul3A_2, %add3A_16 : i32
    %dma_start3A_18 = arith.constant 0 : i32
    %dma_start3A_19 = tpu.memref_slice %arg4[%add3A_17, %dma_start3A_18] : memref<6144x1024xf32, #tpu.memory_space<hbm>> -> memref<48x1024xf32, #tpu.memory_space<hbm>>
    %dma_start3A_20 = arith.constant 0 : i32
    %dma_start3A_21 = tpu.memref_slice %arg4[%add3A_17, %dma_start3A_20] : memref<6144x1024xf32, #tpu.memory_space<hbm>> -> memref<48x1024xf32, #tpu.memory_space<hbm>>
    tpu.enqueue_dma source(%arg6 : memref<48x1024xf32, #tpu.memory_space<vmem>>) target(%dma_start3A_21 : memref<48x1024xf32, #tpu.memory_space<hbm>>) target_semaphore(%arg10 : memref<!tpu.dma_semaphore, #tpu.memory_space<semaphore_mem>>)
    %dma_wait3A_22 = arith.constant 0 : i32
    %dma_wait3A_23 = tpu.memref_slice %arg4[%add3A_17, %dma_wait3A_22] : memref<6144x1024xf32, #tpu.memory_space<hbm>> -> memref<48x1024xf32, #tpu.memory_space<hbm>>
    %dma_wait3A_24 = arith.constant 0 : i32
    %dma_wait3A_25 = tpu.memref_slice %arg4[%add3A_17, %dma_wait3A_24] : memref<6144x1024xf32, #tpu.memory_space<hbm>> -> memref<48x1024xf32, #tpu.memory_space<hbm>>
    tpu.wait_dma2 semaphore(%arg10 : memref<!tpu.dma_semaphore, #tpu.memory_space<semaphore_mem>>) src(%arg6 : memref<48x1024xf32, #tpu.memory_space<vmem>>) dst(%dma_wait3A_25 : memref<48x1024xf32, #tpu.memory_space<hbm>>)
    %dma_start3A_26 = arith.constant 96 : i32
    %dma_start3A_27 = tpu.memref_slice %arg5[%dma_start3A_26] : memref<192xi32, #tpu.memory_space<vmem>> -> memref<48xi32, #tpu.memory_space<vmem>>
    %dma_start3A_28 = arith.constant 0 : i32
    %dma_start3A_29 = arith.constant 0 : i32
    %dma_start3A_30 = tpu.memref_slice %arg2[%dma_start3A_28, %dma_start3A_29] : memref<2048x1024xf32, #tpu.memory_space<hbm>> -> memref<2048x1024xf32, #tpu.memory_space<hbm>>
    tpu.enqueue_indirect_dma source(%dma_start3A_30 : memref<2048x1024xf32, #tpu.memory_space<hbm>>) target(%arg6 : memref<48x1024xf32, #tpu.memory_space<vmem>>) offsets(%dma_start3A_27 : memref<48xi32, #tpu.memory_space<vmem>>) semaphore(%arg8 : memref<!tpu.dma_semaphore, #tpu.memory_space<semaphore_mem>>)
    %dma_wait3A_31 = arith.constant 48 : i32
    %dma_wait3A_32 = tpu.memref_slice %arg5[%dma_wait3A_31] : memref<192xi32, #tpu.memory_space<vmem>> -> memref<48xi32, #tpu.memory_space<vmem>>
    %dma_wait3A_33 = arith.constant 0 : i32
    %dma_wait3A_34 = arith.constant 0 : i32
    %dma_wait3A_35 = tpu.memref_slice %arg2[%dma_wait3A_33, %dma_wait3A_34] : memref<2048x1024xf32, #tpu.memory_space<hbm>> -> memref<2048x1024xf32, #tpu.memory_space<hbm>>
    tpu.wait_indirect_dma semaphore(%arg9 : memref<!tpu.dma_semaphore, #tpu.memory_space<semaphore_mem>>) src(%dma_wait3A_35 : memref<2048x1024xf32, #tpu.memory_space<hbm>>) dst(%arg7 : memref<48x1024xf32, #tpu.memory_space<vmem>>)
    %add3A_36 = arith.constant 48 : i32
    %add3A_37 = arith.addi %mul3A_2, %add3A_36 : i32
    %dma_start3A_38 = arith.constant 0 : i32
    %dma_start3A_39 = tpu.memref_slice %arg4[%add3A_37, %dma_start3A_38] : memref<6144x1024xf32, #tpu.memory_space<hbm>> -> memref<48x1024xf32, #tpu.memory_space<hbm>>
    %dma_start3A_40 = arith.constant 0 : i32
    %dma_start3A_41 = tpu.memref_slice %arg4[%add3A_37, %dma_start3A_40] : memref<6144x1024xf32, #tpu.memory_space<hbm>> -> memref<48x1024xf32, #tpu.memory_space<hbm>>
    tpu.enqueue_dma source(%arg7 : memref<48x1024xf32, #tpu.memory_space<vmem>>) target(%dma_start3A_41 : memref<48x1024xf32, #tpu.memory_space<hbm>>) target_semaphore(%arg11 : memref<!tpu.dma_semaphore, #tpu.memory_space<semaphore_mem>>)
    %dma_wait3A_42 = arith.constant 0 : i32
    %dma_wait3A_43 = tpu.memref_slice %arg4[%add3A_37, %dma_wait3A_42] : memref<6144x1024xf32, #tpu.memory_space<hbm>> -> memref<48x1024xf32, #tpu.memory_space<hbm>>
    %dma_wait3A_44 = arith.constant 0 : i32
    %dma_wait3A_45 = tpu.memref_slice %arg4[%add3A_37, %dma_wait3A_44] : memref<6144x1024xf32, #tpu.memory_space<hbm>> -> memref<48x1024xf32, #tpu.memory_space<hbm>>
    tpu.wait_dma2 semaphore(%arg11 : memref<!tpu.dma_semaphore, #tpu.memory_space<semaphore_mem>>) src(%arg7 : memref<48x1024xf32, #tpu.memory_space<vmem>>) dst(%dma_wait3A_45 : memref<48x1024xf32, #tpu.memory_space<hbm>>)
    %dma_start3A_46 = arith.constant 144 : i32
    %dma_start3A_47 = tpu.memref_slice %arg5[%dma_start3A_46] : memref<192xi32, #tpu.memory_space<vmem>> -> memref<48xi32, #tpu.memory_space<vmem>>
    %dma_start3A_48 = arith.constant 0 : i32
    %dma_start3A_49 = arith.constant 0 : i32
    %dma_start3A_50 = tpu.memref_slice %arg2[%dma_start3A_48, %dma_start3A_49] : memref<2048x1024xf32, #tpu.memory_space<hbm>> -> memref<2048x1024xf32, #tpu.memory_space<hbm>>
    tpu.enqueue_indirect_dma source(%dma_start3A_50 : memref<2048x1024xf32, #tpu.memory_space<hbm>>) target(%arg7 : memref<48x1024xf32, #tpu.memory_space<vmem>>) offsets(%dma_start3A_47 : memref<48xi32, #tpu.memory_space<vmem>>) semaphore(%arg9 : memref<!tpu.dma_semaphore, #tpu.memory_space<semaphore_mem>>)
    %dma_wait3A_51 = arith.constant 96 : i32
    %dma_wait3A_52 = tpu.memref_slice %arg5[%dma_wait3A_51] : memref<192xi32, #tpu.memory_space<vmem>> -> memref<48xi32, #tpu.memory_space<vmem>>
    %dma_wait3A_53 = arith.constant 0 : i32
    %dma_wait3A_54 = arith.constant 0 : i32
    %dma_wait3A_55 = tpu.memref_slice %arg2[%dma_wait3A_53, %dma_wait3A_54] : memref<2048x1024xf32, #tpu.memory_space<hbm>> -> memref<2048x1024xf32, #tpu.memory_space<hbm>>
    tpu.wait_indirect_dma semaphore(%arg8 : memref<!tpu.dma_semaphore, #tpu.memory_space<semaphore_mem>>) src(%dma_wait3A_55 : memref<2048x1024xf32, #tpu.memory_space<hbm>>) dst(%arg6 : memref<48x1024xf32, #tpu.memory_space<vmem>>)
    %add3A_56 = arith.constant 96 : i32
    %add3A_57 = arith.addi %mul3A_2, %add3A_56 : i32
    %dma_start3A_58 = arith.constant 0 : i32
    %dma_start3A_59 = tpu.memref_slice %arg4[%add3A_57, %dma_start3A_58] : memref<6144x1024xf32, #tpu.memory_space<hbm>> -> memref<48x1024xf32, #tpu.memory_space<hbm>>
    %dma_start3A_60 = arith.constant 0 : i32
    %dma_start3A_61 = tpu.memref_slice %arg4[%add3A_57, %dma_start3A_60] : memref<6144x1024xf32, #tpu.memory_space<hbm>> -> memref<48x1024xf32, #tpu.memory_space<hbm>>
    tpu.enqueue_dma source(%arg6 : memref<48x1024xf32, #tpu.memory_space<vmem>>) target(%dma_start3A_61 : memref<48x1024xf32, #tpu.memory_space<hbm>>) target_semaphore(%arg10 : memref<!tpu.dma_semaphore, #tpu.memory_space<semaphore_mem>>)
    %dma_wait3A_62 = arith.constant 144 : i32
    %dma_wait3A_63 = tpu.memref_slice %arg5[%dma_wait3A_62] : memref<192xi32, #tpu.memory_space<vmem>> -> memref<48xi32, #tpu.memory_space<vmem>>
    %dma_wait3A_64 = arith.constant 0 : i32
    %dma_wait3A_65 = arith.constant 0 : i32
    %dma_wait3A_66 = tpu.memref_slice %arg2[%dma_wait3A_64, %dma_wait3A_65] : memref<2048x1024xf32, #tpu.memory_space<hbm>> -> memref<2048x1024xf32, #tpu.memory_space<hbm>>
    tpu.wait_indirect_dma semaphore(%arg9 : memref<!tpu.dma_semaphore, #tpu.memory_space<semaphore_mem>>) src(%dma_wait3A_66 : memref<2048x1024xf32, #tpu.memory_space<hbm>>) dst(%arg7 : memref<48x1024xf32, #tpu.memory_space<vmem>>)
    %add3A_67 = arith.constant 144 : i32
    %add3A_68 = arith.addi %mul3A_2, %add3A_67 : i32
    %dma_start3A_69 = arith.constant 0 : i32
    %dma_start3A_70 = tpu.memref_slice %arg4[%add3A_68, %dma_start3A_69] : memref<6144x1024xf32, #tpu.memory_space<hbm>> -> memref<48x1024xf32, #tpu.memory_space<hbm>>
    %dma_start3A_71 = arith.constant 0 : i32
    %dma_start3A_72 = tpu.memref_slice %arg4[%add3A_68, %dma_start3A_71] : memref<6144x1024xf32, #tpu.memory_space<hbm>> -> memref<48x1024xf32, #tpu.memory_space<hbm>>
    tpu.enqueue_dma source(%arg7 : memref<48x1024xf32, #tpu.memory_space<vmem>>) target(%dma_start3A_72 : memref<48x1024xf32, #tpu.memory_space<hbm>>) target_semaphore(%arg11 : memref<!tpu.dma_semaphore, #tpu.memory_space<semaphore_mem>>)
    %dma_wait3A_73 = arith.constant 0 : i32
    %dma_wait3A_74 = tpu.memref_slice %arg4[%add3A_68, %dma_wait3A_73] : memref<6144x1024xf32, #tpu.memory_space<hbm>> -> memref<48x1024xf32, #tpu.memory_space<hbm>>
    %dma_wait3A_75 = arith.constant 0 : i32
    %dma_wait3A_76 = tpu.memref_slice %arg4[%add3A_68, %dma_wait3A_75] : memref<6144x1024xf32, #tpu.memory_space<hbm>> -> memref<48x1024xf32, #tpu.memory_space<hbm>>
    tpu.wait_dma2 semaphore(%arg11 : memref<!tpu.dma_semaphore, #tpu.memory_space<semaphore_mem>>) src(%arg7 : memref<48x1024xf32, #tpu.memory_space<vmem>>) dst(%dma_wait3A_76 : memref<48x1024xf32, #tpu.memory_space<hbm>>)
    %dma_wait3A_77 = arith.constant 0 : i32
    %dma_wait3A_78 = tpu.memref_slice %arg4[%add3A_57, %dma_wait3A_77] : memref<6144x1024xf32, #tpu.memory_space<hbm>> -> memref<48x1024xf32, #tpu.memory_space<hbm>>
    %dma_wait3A_79 = arith.constant 0 : i32
    %dma_wait3A_80 = tpu.memref_slice %arg4[%add3A_57, %dma_wait3A_79] : memref<6144x1024xf32, #tpu.memory_space<hbm>> -> memref<48x1024xf32, #tpu.memory_space<hbm>>
    tpu.wait_dma2 semaphore(%arg10 : memref<!tpu.dma_semaphore, #tpu.memory_space<semaphore_mem>>) src(%arg6 : memref<48x1024xf32, #tpu.memory_space<vmem>>) dst(%dma_wait3A_80 : memref<48x1024xf32, #tpu.memory_space<hbm>>)
    return
  }
}

#map = affine_map<(d0, d1) -> (0, 0)>
#map1 = affine_map<(d0, d1) -> (0)>
module attributes {stable_mosaic.version = 14 : i64} {
  func.func @gather_k(%arg0: i32, %arg1: i32, %arg2: memref<6144x1024xf32, #tpu.memory_space<hbm>>, %arg3: memref<4096xi32, #tpu.memory_space<hbm>>, %arg4: memref<4096x1024xf32, #tpu.memory_space<hbm>>, %arg5: memref<128xi32, #tpu.memory_space<vmem>>, %arg6: memref<32x1024xf32, #tpu.memory_space<vmem>>, %arg7: memref<32x1024xf32, #tpu.memory_space<vmem>>, %arg8: memref<!tpu.dma_semaphore, #tpu.memory_space<semaphore_mem>>, %arg9: memref<!tpu.dma_semaphore, #tpu.memory_space<semaphore_mem>>, %arg10: memref<!tpu.dma_semaphore, #tpu.memory_space<semaphore_mem>>, %arg11: memref<!tpu.dma_semaphore, #tpu.memory_space<semaphore_mem>>) attributes {dimension_semantics = [#tpu.dimension_semantics<core_parallel>, #tpu.dimension_semantics<subcore_parallel>], iteration_bounds = array<i64: 2, 16>, scalar_prefetch = 0 : i64, scratch_operands = 7 : i64, tpu.core_type = #tpu.core_type<sc_vector_subcore>, window_params = [{transform_indices = #map}, {transform_indices = #map1}, {transform_indices = #map}]} {
    %mul3A = arith.constant 2 : i32
    %mul3A_0 = arith.muli %arg1, %mul3A : i32
    %add3A = arith.addi %mul3A_0, %arg0 : i32
    %mul3A_1 = arith.constant 128 : i32
    %mul3A_2 = arith.muli %add3A, %mul3A_1 : i32
    "tpu.region"() ({
      %run_scoped3A = tpu.sem_alloc : memref<!tpu.dma_semaphore, #tpu.memory_space<semaphore_mem>>
      %dma_start3A_81 = tpu.memref_slice %arg3[%mul3A_2] : memref<4096xi32, #tpu.memory_space<hbm>> -> memref<128xi32, #tpu.memory_space<hbm>>
      %dma_start3A_82 = tpu.memref_slice %arg3[%mul3A_2] : memref<4096xi32, #tpu.memory_space<hbm>> -> memref<128xi32, #tpu.memory_space<hbm>>
      tpu.enqueue_dma source(%dma_start3A_82 : memref<128xi32, #tpu.memory_space<hbm>>) target(%arg5 : memref<128xi32, #tpu.memory_space<vmem>>) target_semaphore(%run_scoped3A : memref<!tpu.dma_semaphore, #tpu.memory_space<semaphore_mem>>)
      %dma_wait3A_83 = tpu.memref_slice %arg3[%mul3A_2] : memref<4096xi32, #tpu.memory_space<hbm>> -> memref<128xi32, #tpu.memory_space<hbm>>
      %dma_wait3A_84 = tpu.memref_slice %arg3[%mul3A_2] : memref<4096xi32, #tpu.memory_space<hbm>> -> memref<128xi32, #tpu.memory_space<hbm>>
      tpu.wait_dma2 semaphore(%run_scoped3A : memref<!tpu.dma_semaphore, #tpu.memory_space<semaphore_mem>>) src(%dma_wait3A_84 : memref<128xi32, #tpu.memory_space<hbm>>) dst(%arg5 : memref<128xi32, #tpu.memory_space<vmem>>)
      tpu.yield
    }) : () -> ()
    %dma_start3A = arith.constant 0 : i32
    %dma_start3A_3 = tpu.memref_slice %arg5[%dma_start3A] : memref<128xi32, #tpu.memory_space<vmem>> -> memref<32xi32, #tpu.memory_space<vmem>>
    %dma_start3A_4 = arith.constant 0 : i32
    %dma_start3A_5 = arith.constant 0 : i32
    %dma_start3A_6 = tpu.memref_slice %arg2[%dma_start3A_4, %dma_start3A_5] : memref<6144x1024xf32, #tpu.memory_space<hbm>> -> memref<6144x1024xf32, #tpu.memory_space<hbm>>
    tpu.enqueue_indirect_dma source(%dma_start3A_6 : memref<6144x1024xf32, #tpu.memory_space<hbm>>) target(%arg6 : memref<32x1024xf32, #tpu.memory_space<vmem>>) offsets(%dma_start3A_3 : memref<32xi32, #tpu.memory_space<vmem>>) semaphore(%arg8 : memref<!tpu.dma_semaphore, #tpu.memory_space<semaphore_mem>>)
    %dma_start3A_7 = arith.constant 32 : i32
    %dma_start3A_8 = tpu.memref_slice %arg5[%dma_start3A_7] : memref<128xi32, #tpu.memory_space<vmem>> -> memref<32xi32, #tpu.memory_space<vmem>>
    %dma_start3A_9 = arith.constant 0 : i32
    %dma_start3A_10 = arith.constant 0 : i32
    %dma_start3A_11 = tpu.memref_slice %arg2[%dma_start3A_9, %dma_start3A_10] : memref<6144x1024xf32, #tpu.memory_space<hbm>> -> memref<6144x1024xf32, #tpu.memory_space<hbm>>
    tpu.enqueue_indirect_dma source(%dma_start3A_11 : memref<6144x1024xf32, #tpu.memory_space<hbm>>) target(%arg7 : memref<32x1024xf32, #tpu.memory_space<vmem>>) offsets(%dma_start3A_8 : memref<32xi32, #tpu.memory_space<vmem>>) semaphore(%arg9 : memref<!tpu.dma_semaphore, #tpu.memory_space<semaphore_mem>>)
    %dma_wait3A = arith.constant 0 : i32
    %dma_wait3A_12 = tpu.memref_slice %arg5[%dma_wait3A] : memref<128xi32, #tpu.memory_space<vmem>> -> memref<32xi32, #tpu.memory_space<vmem>>
    %dma_wait3A_13 = arith.constant 0 : i32
    %dma_wait3A_14 = arith.constant 0 : i32
    %dma_wait3A_15 = tpu.memref_slice %arg2[%dma_wait3A_13, %dma_wait3A_14] : memref<6144x1024xf32, #tpu.memory_space<hbm>> -> memref<6144x1024xf32, #tpu.memory_space<hbm>>
    tpu.wait_indirect_dma semaphore(%arg8 : memref<!tpu.dma_semaphore, #tpu.memory_space<semaphore_mem>>) src(%dma_wait3A_15 : memref<6144x1024xf32, #tpu.memory_space<hbm>>) dst(%arg6 : memref<32x1024xf32, #tpu.memory_space<vmem>>)
    %add3A_16 = arith.constant 0 : i32
    %add3A_17 = arith.addi %mul3A_2, %add3A_16 : i32
    %dma_start3A_18 = arith.constant 0 : i32
    %dma_start3A_19 = tpu.memref_slice %arg4[%add3A_17, %dma_start3A_18] : memref<4096x1024xf32, #tpu.memory_space<hbm>> -> memref<32x1024xf32, #tpu.memory_space<hbm>>
    %dma_start3A_20 = arith.constant 0 : i32
    %dma_start3A_21 = tpu.memref_slice %arg4[%add3A_17, %dma_start3A_20] : memref<4096x1024xf32, #tpu.memory_space<hbm>> -> memref<32x1024xf32, #tpu.memory_space<hbm>>
    tpu.enqueue_dma source(%arg6 : memref<32x1024xf32, #tpu.memory_space<vmem>>) target(%dma_start3A_21 : memref<32x1024xf32, #tpu.memory_space<hbm>>) target_semaphore(%arg10 : memref<!tpu.dma_semaphore, #tpu.memory_space<semaphore_mem>>)
    %dma_wait3A_22 = arith.constant 0 : i32
    %dma_wait3A_23 = tpu.memref_slice %arg4[%add3A_17, %dma_wait3A_22] : memref<4096x1024xf32, #tpu.memory_space<hbm>> -> memref<32x1024xf32, #tpu.memory_space<hbm>>
    %dma_wait3A_24 = arith.constant 0 : i32
    %dma_wait3A_25 = tpu.memref_slice %arg4[%add3A_17, %dma_wait3A_24] : memref<4096x1024xf32, #tpu.memory_space<hbm>> -> memref<32x1024xf32, #tpu.memory_space<hbm>>
    tpu.wait_dma2 semaphore(%arg10 : memref<!tpu.dma_semaphore, #tpu.memory_space<semaphore_mem>>) src(%arg6 : memref<32x1024xf32, #tpu.memory_space<vmem>>) dst(%dma_wait3A_25 : memref<32x1024xf32, #tpu.memory_space<hbm>>)
    %dma_start3A_26 = arith.constant 64 : i32
    %dma_start3A_27 = tpu.memref_slice %arg5[%dma_start3A_26] : memref<128xi32, #tpu.memory_space<vmem>> -> memref<32xi32, #tpu.memory_space<vmem>>
    %dma_start3A_28 = arith.constant 0 : i32
    %dma_start3A_29 = arith.constant 0 : i32
    %dma_start3A_30 = tpu.memref_slice %arg2[%dma_start3A_28, %dma_start3A_29] : memref<6144x1024xf32, #tpu.memory_space<hbm>> -> memref<6144x1024xf32, #tpu.memory_space<hbm>>
    tpu.enqueue_indirect_dma source(%dma_start3A_30 : memref<6144x1024xf32, #tpu.memory_space<hbm>>) target(%arg6 : memref<32x1024xf32, #tpu.memory_space<vmem>>) offsets(%dma_start3A_27 : memref<32xi32, #tpu.memory_space<vmem>>) semaphore(%arg8 : memref<!tpu.dma_semaphore, #tpu.memory_space<semaphore_mem>>)
    %dma_wait3A_31 = arith.constant 32 : i32
    %dma_wait3A_32 = tpu.memref_slice %arg5[%dma_wait3A_31] : memref<128xi32, #tpu.memory_space<vmem>> -> memref<32xi32, #tpu.memory_space<vmem>>
    %dma_wait3A_33 = arith.constant 0 : i32
    %dma_wait3A_34 = arith.constant 0 : i32
    %dma_wait3A_35 = tpu.memref_slice %arg2[%dma_wait3A_33, %dma_wait3A_34] : memref<6144x1024xf32, #tpu.memory_space<hbm>> -> memref<6144x1024xf32, #tpu.memory_space<hbm>>
    tpu.wait_indirect_dma semaphore(%arg9 : memref<!tpu.dma_semaphore, #tpu.memory_space<semaphore_mem>>) src(%dma_wait3A_35 : memref<6144x1024xf32, #tpu.memory_space<hbm>>) dst(%arg7 : memref<32x1024xf32, #tpu.memory_space<vmem>>)
    %add3A_36 = arith.constant 32 : i32
    %add3A_37 = arith.addi %mul3A_2, %add3A_36 : i32
    %dma_start3A_38 = arith.constant 0 : i32
    %dma_start3A_39 = tpu.memref_slice %arg4[%add3A_37, %dma_start3A_38] : memref<4096x1024xf32, #tpu.memory_space<hbm>> -> memref<32x1024xf32, #tpu.memory_space<hbm>>
    %dma_start3A_40 = arith.constant 0 : i32
    %dma_start3A_41 = tpu.memref_slice %arg4[%add3A_37, %dma_start3A_40] : memref<4096x1024xf32, #tpu.memory_space<hbm>> -> memref<32x1024xf32, #tpu.memory_space<hbm>>
    tpu.enqueue_dma source(%arg7 : memref<32x1024xf32, #tpu.memory_space<vmem>>) target(%dma_start3A_41 : memref<32x1024xf32, #tpu.memory_space<hbm>>) target_semaphore(%arg11 : memref<!tpu.dma_semaphore, #tpu.memory_space<semaphore_mem>>)
    %dma_wait3A_42 = arith.constant 0 : i32
    %dma_wait3A_43 = tpu.memref_slice %arg4[%add3A_37, %dma_wait3A_42] : memref<4096x1024xf32, #tpu.memory_space<hbm>> -> memref<32x1024xf32, #tpu.memory_space<hbm>>
    %dma_wait3A_44 = arith.constant 0 : i32
    %dma_wait3A_45 = tpu.memref_slice %arg4[%add3A_37, %dma_wait3A_44] : memref<4096x1024xf32, #tpu.memory_space<hbm>> -> memref<32x1024xf32, #tpu.memory_space<hbm>>
    tpu.wait_dma2 semaphore(%arg11 : memref<!tpu.dma_semaphore, #tpu.memory_space<semaphore_mem>>) src(%arg7 : memref<32x1024xf32, #tpu.memory_space<vmem>>) dst(%dma_wait3A_45 : memref<32x1024xf32, #tpu.memory_space<hbm>>)
    %dma_start3A_46 = arith.constant 96 : i32
    %dma_start3A_47 = tpu.memref_slice %arg5[%dma_start3A_46] : memref<128xi32, #tpu.memory_space<vmem>> -> memref<32xi32, #tpu.memory_space<vmem>>
    %dma_start3A_48 = arith.constant 0 : i32
    %dma_start3A_49 = arith.constant 0 : i32
    %dma_start3A_50 = tpu.memref_slice %arg2[%dma_start3A_48, %dma_start3A_49] : memref<6144x1024xf32, #tpu.memory_space<hbm>> -> memref<6144x1024xf32, #tpu.memory_space<hbm>>
    tpu.enqueue_indirect_dma source(%dma_start3A_50 : memref<6144x1024xf32, #tpu.memory_space<hbm>>) target(%arg7 : memref<32x1024xf32, #tpu.memory_space<vmem>>) offsets(%dma_start3A_47 : memref<32xi32, #tpu.memory_space<vmem>>) semaphore(%arg9 : memref<!tpu.dma_semaphore, #tpu.memory_space<semaphore_mem>>)
    %dma_wait3A_51 = arith.constant 64 : i32
    %dma_wait3A_52 = tpu.memref_slice %arg5[%dma_wait3A_51] : memref<128xi32, #tpu.memory_space<vmem>> -> memref<32xi32, #tpu.memory_space<vmem>>
    %dma_wait3A_53 = arith.constant 0 : i32
    %dma_wait3A_54 = arith.constant 0 : i32
    %dma_wait3A_55 = tpu.memref_slice %arg2[%dma_wait3A_53, %dma_wait3A_54] : memref<6144x1024xf32, #tpu.memory_space<hbm>> -> memref<6144x1024xf32, #tpu.memory_space<hbm>>
    tpu.wait_indirect_dma semaphore(%arg8 : memref<!tpu.dma_semaphore, #tpu.memory_space<semaphore_mem>>) src(%dma_wait3A_55 : memref<6144x1024xf32, #tpu.memory_space<hbm>>) dst(%arg6 : memref<32x1024xf32, #tpu.memory_space<vmem>>)
    %add3A_56 = arith.constant 64 : i32
    %add3A_57 = arith.addi %mul3A_2, %add3A_56 : i32
    %dma_start3A_58 = arith.constant 0 : i32
    %dma_start3A_59 = tpu.memref_slice %arg4[%add3A_57, %dma_start3A_58] : memref<4096x1024xf32, #tpu.memory_space<hbm>> -> memref<32x1024xf32, #tpu.memory_space<hbm>>
    %dma_start3A_60 = arith.constant 0 : i32
    %dma_start3A_61 = tpu.memref_slice %arg4[%add3A_57, %dma_start3A_60] : memref<4096x1024xf32, #tpu.memory_space<hbm>> -> memref<32x1024xf32, #tpu.memory_space<hbm>>
    tpu.enqueue_dma source(%arg6 : memref<32x1024xf32, #tpu.memory_space<vmem>>) target(%dma_start3A_61 : memref<32x1024xf32, #tpu.memory_space<hbm>>) target_semaphore(%arg10 : memref<!tpu.dma_semaphore, #tpu.memory_space<semaphore_mem>>)
    %dma_wait3A_62 = arith.constant 96 : i32
    %dma_wait3A_63 = tpu.memref_slice %arg5[%dma_wait3A_62] : memref<128xi32, #tpu.memory_space<vmem>> -> memref<32xi32, #tpu.memory_space<vmem>>
    %dma_wait3A_64 = arith.constant 0 : i32
    %dma_wait3A_65 = arith.constant 0 : i32
    %dma_wait3A_66 = tpu.memref_slice %arg2[%dma_wait3A_64, %dma_wait3A_65] : memref<6144x1024xf32, #tpu.memory_space<hbm>> -> memref<6144x1024xf32, #tpu.memory_space<hbm>>
    tpu.wait_indirect_dma semaphore(%arg9 : memref<!tpu.dma_semaphore, #tpu.memory_space<semaphore_mem>>) src(%dma_wait3A_66 : memref<6144x1024xf32, #tpu.memory_space<hbm>>) dst(%arg7 : memref<32x1024xf32, #tpu.memory_space<vmem>>)
    %add3A_67 = arith.constant 96 : i32
    %add3A_68 = arith.addi %mul3A_2, %add3A_67 : i32
    %dma_start3A_69 = arith.constant 0 : i32
    %dma_start3A_70 = tpu.memref_slice %arg4[%add3A_68, %dma_start3A_69] : memref<4096x1024xf32, #tpu.memory_space<hbm>> -> memref<32x1024xf32, #tpu.memory_space<hbm>>
    %dma_start3A_71 = arith.constant 0 : i32
    %dma_start3A_72 = tpu.memref_slice %arg4[%add3A_68, %dma_start3A_71] : memref<4096x1024xf32, #tpu.memory_space<hbm>> -> memref<32x1024xf32, #tpu.memory_space<hbm>>
    tpu.enqueue_dma source(%arg7 : memref<32x1024xf32, #tpu.memory_space<vmem>>) target(%dma_start3A_72 : memref<32x1024xf32, #tpu.memory_space<hbm>>) target_semaphore(%arg11 : memref<!tpu.dma_semaphore, #tpu.memory_space<semaphore_mem>>)
    %dma_wait3A_73 = arith.constant 0 : i32
    %dma_wait3A_74 = tpu.memref_slice %arg4[%add3A_68, %dma_wait3A_73] : memref<4096x1024xf32, #tpu.memory_space<hbm>> -> memref<32x1024xf32, #tpu.memory_space<hbm>>
    %dma_wait3A_75 = arith.constant 0 : i32
    %dma_wait3A_76 = tpu.memref_slice %arg4[%add3A_68, %dma_wait3A_75] : memref<4096x1024xf32, #tpu.memory_space<hbm>> -> memref<32x1024xf32, #tpu.memory_space<hbm>>
    tpu.wait_dma2 semaphore(%arg11 : memref<!tpu.dma_semaphore, #tpu.memory_space<semaphore_mem>>) src(%arg7 : memref<32x1024xf32, #tpu.memory_space<vmem>>) dst(%dma_wait3A_76 : memref<32x1024xf32, #tpu.memory_space<hbm>>)
    %dma_wait3A_77 = arith.constant 0 : i32
    %dma_wait3A_78 = tpu.memref_slice %arg4[%add3A_57, %dma_wait3A_77] : memref<4096x1024xf32, #tpu.memory_space<hbm>> -> memref<32x1024xf32, #tpu.memory_space<hbm>>
    %dma_wait3A_79 = arith.constant 0 : i32
    %dma_wait3A_80 = tpu.memref_slice %arg4[%add3A_57, %dma_wait3A_79] : memref<4096x1024xf32, #tpu.memory_space<hbm>> -> memref<32x1024xf32, #tpu.memory_space<hbm>>
    tpu.wait_dma2 semaphore(%arg10 : memref<!tpu.dma_semaphore, #tpu.memory_space<semaphore_mem>>) src(%arg6 : memref<32x1024xf32, #tpu.memory_space<vmem>>) dst(%dma_wait3A_80 : memref<32x1024xf32, #tpu.memory_space<hbm>>)
    return
  }
}

module attributes {stable_mosaic.version = 14 : i64} {
  func.func @_router_body(%arg0: memref<2048x1024xf32, #tpu.memory_space<vmem>>, %arg1: memref<1024x8xf32, #tpu.memory_space<vmem>>, %arg2: memref<1x8xf32, #tpu.memory_space<vmem>>, %arg3: memref<2048x8xf32, #tpu.memory_space<vmem>>, %arg4: memref<2048x2xi32, #tpu.memory_space<vmem>>, %arg5: memref<2048x2xf32, #tpu.memory_space<vmem>>, %arg6: memref<2048x2xi32, #tpu.memory_space<vmem>>, %arg7: memref<1x8xi32, #tpu.memory_space<vmem>>) attributes {dimension_semantics = [], scalar_prefetch = 0 : i64, scratch_operands = 0 : i64, tpu.core_type = #tpu.core_type<tc>} {
    %get3A = arith.constant 0 : index
    %get3A_0 = arith.constant 0 : index
    %get3A_1 = vector.load %arg0[%get3A, %get3A_0] : memref<2048x1024xf32, #tpu.memory_space<vmem>>, vector<2048x1024xf32>
    %get3A_2 = arith.constant 0 : index
    %get3A_3 = arith.constant 0 : index
    %get3A_4 = vector.load %arg1[%get3A_2, %get3A_3] : memref<1024x8xf32, #tpu.memory_space<vmem>>, vector<1024x8xf32>
    %dot_general3A = arith.constant dense<0.000000e+00> : vector<2048x8xf32>
    %dot_general3A_5 = tpu.matmul %get3A_1, %get3A_4, %dot_general3A {dimension_numbers = #tpu.dot_dimension_numbers<[1], [0], [0], [1], [0, 0, 1, 1], [], []>, transpose_lhs_hint = false} : vector<2048x1024xf32>, vector<1024x8xf32>, vector<2048x8xf32> -> vector<2048x8xf32>
    %get3A_6 = arith.constant 0 : index
    %get3A_7 = arith.constant 0 : index
    %get3A_8 = vector.load %arg2[%get3A_6, %get3A_7] : memref<1x8xf32, #tpu.memory_space<vmem>>, vector<1x8xf32>
    %add3A = vector.broadcast %get3A_8 : vector<1x8xf32> to vector<2048x8xf32>
    %add3A_9 = arith.addf %dot_general3A_5, %add3A : vector<2048x8xf32>
    %swap3A = arith.constant 0 : index
    %swap3A_10 = arith.constant 0 : index
    %swap3A_11 = vector.load %arg3[%swap3A, %swap3A_10] : memref<2048x8xf32, #tpu.memory_space<vmem>>, vector<2048x8xf32>
    tpu.vector_store %arg3[%swap3A, %swap3A_10], %add3A_9 {strides = array<i32>} : memref<2048x8xf32, #tpu.memory_space<vmem>>, vector<2048x8xf32>,
    %iota3A = tpu.iota {dimensions = array<i32: 1>} : vector<2048x8xi32>
    %reduce_max3A = arith.constant dense<0xFF800000> : vector<2048xf32>
    %reduce_max3A_12 = vector.multi_reduction <maximumf>, %add3A_9, %reduce_max3A [1] : vector<2048x8xf32> to vector<2048xf32>
    %broadcast_in_dim3A = vector.shape_cast %reduce_max3A_12 : vector<2048xf32> to vector<2048x1xf32>
    %eq3A = vector.broadcast %broadcast_in_dim3A : vector<2048x1xf32> to vector<2048x8xf32>
    %eq3A_13 = arith.cmpf oeq, %add3A_9, %eq3A : vector<2048x8xf32>
    %jit3A = arith.constant 8 : i32
    %broadcast_in_dim3A_14 = vector.broadcast %jit3A : i32 to vector<2048x8xi32>
    %select_n3A = arith.select %eq3A_13, %iota3A, %broadcast_in_dim3A_14 : vector<2048x8xi1>, vector<2048x8xi32>
    %reduce_min3A = arith.constant dense<2147483647> : vector<2048xi32>
    %reduce_min3A_15 = vector.multi_reduction <minsi>, %select_n3A, %reduce_min3A [1] : vector<2048x8xi32> to vector<2048xi32>
    %broadcast_in_dim3A_16 = vector.shape_cast %reduce_min3A_15 : vector<2048xi32> to vector<2048x1xi32>
    %eq3A_17 = vector.broadcast %broadcast_in_dim3A_16 : vector<2048x1xi32> to vector<2048x8xi32>
    %eq3A_18 = arith.cmpi eq, %iota3A, %eq3A_17 : vector<2048x8xi32>
    %jit3A_19 = arith.constant 0xFF800000 : f32
    %broadcast_in_dim3A_20 = vector.broadcast %jit3A_19 : f32 to vector<2048x8xf32>
    %select_n3A_21 = arith.select %eq3A_18, %broadcast_in_dim3A_20, %add3A_9 : vector<2048x8xi1>, vector<2048x8xf32>
    %reduce_max3A_22 = arith.constant dense<0xFF800000> : vector<2048xf32>
    %reduce_max3A_23 = vector.multi_reduction <maximumf>, %select_n3A_21, %reduce_max3A_22 [1] : vector<2048x8xf32> to vector<2048xf32>
    %broadcast_in_dim3A_24 = vector.shape_cast %reduce_max3A_23 : vector<2048xf32> to vector<2048x1xf32>
    %eq3A_25 = vector.broadcast %broadcast_in_dim3A_24 : vector<2048x1xf32> to vector<2048x8xf32>
    %eq3A_26 = arith.cmpf oeq, %select_n3A_21, %eq3A_25 : vector<2048x8xf32>
    %jit3A_27 = arith.constant 8 : i32
    %broadcast_in_dim3A_28 = vector.broadcast %jit3A_27 : i32 to vector<2048x8xi32>
    %select_n3A_29 = arith.select %eq3A_26, %iota3A, %broadcast_in_dim3A_28 : vector<2048x8xi1>, vector<2048x8xi32>
    %reduce_min3A_30 = arith.constant dense<2147483647> : vector<2048xi32>
    %reduce_min3A_31 = vector.multi_reduction <minsi>, %select_n3A_29, %reduce_min3A_30 [1] : vector<2048x8xi32> to vector<2048xi32>
    %broadcast_in_dim3A_32 = vector.shape_cast %reduce_min3A_31 : vector<2048xi32> to vector<2048x1xi32>
    %sub3A = arith.subf %broadcast_in_dim3A_24, %broadcast_in_dim3A : vector<2048x1xf32>
    %exp3A = math.exp %sub3A : vector<2048x1xf32>
    %add3A_33 = arith.constant 1.000000e+00 : f32
    %add3A_34 = vector.broadcast %add3A_33 : f32 to vector<2048x1xf32>
    %add3A_35 = arith.addf %add3A_34, %exp3A : vector<2048x1xf32>
    %div3A = arith.constant 1.000000e+00 : f32
    %div3A_36 = vector.broadcast %div3A : f32 to vector<2048x1xf32>
    %div3A_37 = arith.divf %div3A_36, %add3A_35 : vector<2048x1xf32>
    %sub3A_38 = arith.constant 1.000000e+00 : f32
    %sub3A_39 = vector.broadcast %sub3A_38 : f32 to vector<2048x1xf32>
    %sub3A_40 = arith.subf %sub3A_39, %div3A_37 : vector<2048x1xf32>
    %iota3A_41 = tpu.iota {dimensions = array<i32: 1>} : vector<2048x2xi32>
    %eq3A_42 = arith.constant 0 : i32
    %eq3A_43 = vector.broadcast %eq3A_42 : i32 to vector<2048x2xi32>
    %eq3A_44 = arith.cmpi eq, %iota3A_41, %eq3A_43 : vector<2048x2xi32>
    %broadcast_in_dim3A_45 = vector.shape_cast %broadcast_in_dim3A_16 : vector<2048x1xi32> to vector<2048x1xi32>
    %broadcast_in_dim3A_46 = vector.broadcast %broadcast_in_dim3A_45 : vector<2048x1xi32> to vector<2048x2xi32>
    %broadcast_in_dim3A_47 = vector.shape_cast %broadcast_in_dim3A_32 : vector<2048x1xi32> to vector<2048x1xi32>
    %broadcast_in_dim3A_48 = vector.broadcast %broadcast_in_dim3A_47 : vector<2048x1xi32> to vector<2048x2xi32>
    %select_n3A_49 = arith.select %eq3A_44, %broadcast_in_dim3A_46, %broadcast_in_dim3A_48 : vector<2048x2xi1>, vector<2048x2xi32>
    %swap3A_50 = arith.constant 0 : index
    %swap3A_51 = arith.constant 0 : index
    %swap3A_52 = vector.load %arg4[%swap3A_50, %swap3A_51] : memref<2048x2xi32, #tpu.memory_space<vmem>>, vector<2048x2xi32>
    tpu.vector_store %arg4[%swap3A_50, %swap3A_51], %select_n3A_49 {strides = array<i32>} : memref<2048x2xi32, #tpu.memory_space<vmem>>, vector<2048x2xi32>,
    %eq3A_53 = arith.constant 0 : i32
    %eq3A_54 = vector.broadcast %eq3A_53 : i32 to vector<2048x2xi32>
    %eq3A_55 = arith.cmpi eq, %iota3A_41, %eq3A_54 : vector<2048x2xi32>
    %broadcast_in_dim3A_56 = vector.shape_cast %div3A_37 : vector<2048x1xf32> to vector<2048x1xf32>
    %broadcast_in_dim3A_57 = vector.broadcast %broadcast_in_dim3A_56 : vector<2048x1xf32> to vector<2048x2xf32>
    %broadcast_in_dim3A_58 = vector.shape_cast %sub3A_40 : vector<2048x1xf32> to vector<2048x1xf32>
    %broadcast_in_dim3A_59 = vector.broadcast %broadcast_in_dim3A_58 : vector<2048x1xf32> to vector<2048x2xf32>
    %select_n3A_60 = arith.select %eq3A_55, %broadcast_in_dim3A_57, %broadcast_in_dim3A_59 : vector<2048x2xi1>, vector<2048x2xf32>
    %swap3A_61 = arith.constant 0 : index
    %swap3A_62 = arith.constant 0 : index
    %swap3A_63 = vector.load %arg5[%swap3A_61, %swap3A_62] : memref<2048x2xf32, #tpu.memory_space<vmem>>, vector<2048x2xf32>
    tpu.vector_store %arg5[%swap3A_61, %swap3A_62], %select_n3A_60 {strides = array<i32>} : memref<2048x2xf32, #tpu.memory_space<vmem>>, vector<2048x2xf32>,
    %eq3A_64 = vector.broadcast %broadcast_in_dim3A_16 : vector<2048x1xi32> to vector<2048x8xi32>
    %eq3A_65 = arith.cmpi eq, %iota3A, %eq3A_64 : vector<2048x8xi32>
    %jit3A_66 = arith.constant 1.000000e+00 : f32
    %jit3A_67 = arith.constant 0.000000e+00 : f32
    %broadcast_in_dim3A_68 = vector.broadcast %jit3A_66 : f32 to vector<2048x8xf32>
    %broadcast_in_dim3A_69 = vector.broadcast %jit3A_67 : f32 to vector<2048x8xf32>
    %select_n3A_70 = arith.select %eq3A_65, %broadcast_in_dim3A_68, %broadcast_in_dim3A_69 : vector<2048x8xi1>, vector<2048x8xf32>
    %eq3A_71 = vector.broadcast %broadcast_in_dim3A_32 : vector<2048x1xi32> to vector<2048x8xi32>
    %eq3A_72 = arith.cmpi eq, %iota3A, %eq3A_71 : vector<2048x8xi32>
    %jit3A_73 = arith.constant 1.000000e+00 : f32
    %jit3A_74 = arith.constant 0.000000e+00 : f32
    %broadcast_in_dim3A_75 = vector.broadcast %jit3A_73 : f32 to vector<2048x8xf32>
    %broadcast_in_dim3A_76 = vector.broadcast %jit3A_74 : f32 to vector<2048x8xf32>
    %select_n3A_77 = arith.select %eq3A_72, %broadcast_in_dim3A_75, %broadcast_in_dim3A_76 : vector<2048x8xi1>, vector<2048x8xf32>
    %add3A_78 = arith.addf %select_n3A_70, %select_n3A_77 : vector<2048x8xf32>
    %iota3A_79 = tpu.iota {dimensions = array<i32: 0>} : vector<2048x2048xi32>
    %iota3A_80 = tpu.iota {dimensions = array<i32: 1>} : vector<2048x2048xi32>
    %lt3A = arith.cmpi slt, %iota3A_80, %iota3A_79 : vector<2048x2048xi32>
    %jit3A_81 = arith.constant 1.000000e+00 : f32
    %jit3A_82 = arith.constant 0.000000e+00 : f32
    %broadcast_in_dim3A_83 = vector.broadcast %jit3A_81 : f32 to vector<2048x2048xf32>
    %broadcast_in_dim3A_84 = vector.broadcast %jit3A_82 : f32 to vector<2048x2048xf32>
    %select_n3A_85 = arith.select %lt3A, %broadcast_in_dim3A_83, %broadcast_in_dim3A_84 : vector<2048x2048xi1>, vector<2048x2048xf32>
    %dot_general3A_86 = arith.constant dense<0.000000e+00> : vector<2048x8xf32>
    %dot_general3A_87 = tpu.matmul %select_n3A_85, %add3A_78, %dot_general3A_86 {dimension_numbers = #tpu.dot_dimension_numbers<[1], [0], [0], [1], [0, 0, 1, 1], [], []>, transpose_lhs_hint = false} : vector<2048x2048xf32>, vector<2048x8xf32>, vector<2048x8xf32> -> vector<2048x8xf32>
    %eq3A_88 = vector.broadcast %broadcast_in_dim3A_16 : vector<2048x1xi32> to vector<2048x8xi32>
    %eq3A_89 = arith.cmpi eq, %iota3A, %eq3A_88 : vector<2048x8xi32>
    %jit3A_90 = arith.constant 0.000000e+00 : f32
    %broadcast_in_dim3A_91 = vector.broadcast %jit3A_90 : f32 to vector<2048x8xf32>
    %select_n3A_92 = arith.select %eq3A_89, %dot_general3A_87, %broadcast_in_dim3A_91 : vector<2048x8xi1>, vector<2048x8xf32>
    %reduce_sum3A = arith.constant dense<0.000000e+00> : vector<2048xf32>
    %reduce_sum3A_93 = vector.multi_reduction <add>, %select_n3A_92, %reduce_sum3A [1] : vector<2048x8xf32> to vector<2048xf32>
    %broadcast_in_dim3A_94 = vector.shape_cast %reduce_sum3A_93 : vector<2048xf32> to vector<2048x1xf32>
    %eq3A_95 = vector.broadcast %broadcast_in_dim3A_32 : vector<2048x1xi32> to vector<2048x8xi32>
    %eq3A_96 = arith.cmpi eq, %iota3A, %eq3A_95 : vector<2048x8xi32>
    %jit3A_97 = arith.constant 0.000000e+00 : f32
    %broadcast_in_dim3A_98 = vector.broadcast %jit3A_97 : f32 to vector<2048x8xf32>
    %select_n3A_99 = arith.select %eq3A_96, %dot_general3A_87, %broadcast_in_dim3A_98 : vector<2048x8xi1>, vector<2048x8xf32>
    %reduce_sum3A_100 = arith.constant dense<0.000000e+00> : vector<2048xf32>
    %reduce_sum3A_101 = vector.multi_reduction <add>, %select_n3A_99, %reduce_sum3A_100 [1] : vector<2048x8xf32> to vector<2048xf32>
    %broadcast_in_dim3A_102 = vector.shape_cast %reduce_sum3A_101 : vector<2048xf32> to vector<2048x1xf32>
    %eq3A_103 = arith.constant 0 : i32
    %eq3A_104 = vector.broadcast %eq3A_103 : i32 to vector<2048x2xi32>
    %eq3A_105 = arith.cmpi eq, %iota3A_41, %eq3A_104 : vector<2048x2xi32>
    %broadcast_in_dim3A_106 = vector.shape_cast %broadcast_in_dim3A_94 : vector<2048x1xf32> to vector<2048x1xf32>
    %broadcast_in_dim3A_107 = vector.broadcast %broadcast_in_dim3A_106 : vector<2048x1xf32> to vector<2048x2xf32>
    %broadcast_in_dim3A_108 = vector.shape_cast %broadcast_in_dim3A_102 : vector<2048x1xf32> to vector<2048x1xf32>
    %broadcast_in_dim3A_109 = vector.broadcast %broadcast_in_dim3A_108 : vector<2048x1xf32> to vector<2048x2xf32>
    %select_n3A_110 = arith.select %eq3A_105, %broadcast_in_dim3A_107, %broadcast_in_dim3A_109 : vector<2048x2xi1>, vector<2048x2xf32>
    %convert_element_type3A = arith.fptosi %select_n3A_110 : vector<2048x2xf32> to vector<2048x2xi32>
    %swap3A_111 = arith.constant 0 : index
    %swap3A_112 = arith.constant 0 : index
    %swap3A_113 = vector.load %arg6[%swap3A_111, %swap3A_112] : memref<2048x2xi32, #tpu.memory_space<vmem>>, vector<2048x2xi32>
    tpu.vector_store %arg6[%swap3A_111, %swap3A_112], %convert_element_type3A {strides = array<i32>} : memref<2048x2xi32, #tpu.memory_space<vmem>>, vector<2048x2xi32>,
    %reduce_sum3A_114 = arith.constant dense<0.000000e+00> : vector<8xf32>
    %reduce_sum3A_115 = vector.multi_reduction <add>, %add3A_78, %reduce_sum3A_114 [0] : vector<2048x8xf32> to vector<8xf32>
    %broadcast_in_dim3A_116 = vector.shape_cast %reduce_sum3A_115 : vector<8xf32> to vector<1x8xf32>
    %convert_element_type3A_117 = arith.fptosi %broadcast_in_dim3A_116 : vector<1x8xf32> to vector<1x8xi32>
    %swap3A_118 = arith.constant 0 : index
    %swap3A_119 = arith.constant 0 : index
    %swap3A_120 = vector.load %arg7[%swap3A_118, %swap3A_119] : memref<1x8xi32, #tpu.memory_space<vmem>>, vector<1x8xi32>
    tpu.vector_store %arg7[%swap3A_118, %swap3A_119], %convert_element_type3A_117 {strides = array<i32>} : memref<1x8xi32, #tpu.memory_space<vmem>>, vector<1x8xi32>,
    return
  }
}

module attributes {stable_mosaic.version = 14 : i64} {
  func.func @_moe_body(%arg0: i32, %arg1: memref<24xi32, #tpu.memory_space<smem>>, %arg2: memref<24xi32, #tpu.memory_space<smem>>, %arg3: memref<24xi32, #tpu.memory_space<smem>>, %arg4: memref<256x1024xf32, #tpu.memory_space<vmem>>, %arg5: memref<1x1024x4096xf32, #tpu.memory_space<vmem>>, %arg6: memref<1x1x4096xf32, #tpu.memory_space<vmem>>, %arg7: memref<1x4096x1024xf32, #tpu.memory_space<vmem>>, %arg8: memref<1x1x1024xf32, #tpu.memory_space<vmem>>, %arg9: memref<256x1xf32, #tpu.memory_space<vmem>>, %arg10: memref<256x1024xf32, #tpu.memory_space<vmem>>) attributes {dimension_semantics = [#tpu.dimension_semantics<arbitrary>], iteration_bounds = array<i64: 24>, scalar_prefetch = 3 : i64, scratch_operands = 0 : i64, tpu.core_type = #tpu.core_type<tc>, window_params = [{transform_indices = @transform_0, window_bounds = array<i64: 256, 1024>}, {transform_indices = @transform_1, window_bounds = array<i64: 1, 1024, 4096>}, {pipeline_mode = #tpu.pipeline_mode<synchronous>, transform_indices = @transform_2, window_bounds = array<i64: 1, 1, 4096>}, {pipeline_mode = #tpu.pipeline_mode<synchronous>, transform_indices = @transform_3, window_bounds = array<i64: 1, 4096, 1024>}, {pipeline_mode = #tpu.pipeline_mode<synchronous>, transform_indices = @transform_4, window_bounds = array<i64: 1, 1, 1024>}, {transform_indices = @transform_5, window_bounds = array<i64: 256, 1>}, {transform_indices = @transform_6, window_bounds = array<i64: 256, 1024>}]} {
    %get3A = arith.index_cast %arg0 : i32 to index
    %get3A_0 = memref.load %arg3[%get3A] : memref<24xi32, #tpu.memory_space<smem>>
    %eq3A = arith.constant 1 : i32
    %eq3A_1 = arith.cmpi eq, %get3A_0, %eq3A : i32
    %convert_element_type3A = arith.extui %eq3A_1 : i1 to i32
    %cond3A = arith.constant 0 : i32
    %cond3A_2 = arith.cmpi ne, %convert_element_type3A, %cond3A : i32
    scf.if %cond3A_2 {
      %get3A_3 = arith.constant 0 : index
      %get3A_4 = arith.constant 0 : index
      %get3A_5 = vector.load %arg4[%get3A_3, %get3A_4] : memref<256x1024xf32, #tpu.memory_space<vmem>>, vector<256x1024xf32>
      %get3A_6 = arith.constant 0 : index
      %get3A_7 = arith.constant 0 : index
      %get3A_8 = arith.constant 0 : index
      %get3A_9 = vector.load %arg5[%get3A_6, %get3A_7, %get3A_8] : memref<1x1024x4096xf32, #tpu.memory_space<vmem>>, vector<1x1024x4096xf32>
      %get3A_10 = vector.shape_cast %get3A_9 : vector<1x1024x4096xf32> to vector<1024x4096xf32>
      %dot_general3A = arith.constant dense<0.000000e+00> : vector<256x4096xf32>
      %dot_general3A_11 = tpu.matmul %get3A_5, %get3A_10, %dot_general3A {dimension_numbers = #tpu.dot_dimension_numbers<[1], [0], [0], [1], [0, 0, 1, 1], [], []>, transpose_lhs_hint = false} : vector<256x1024xf32>, vector<1024x4096xf32>, vector<256x4096xf32> -> vector<256x4096xf32>
      %get3A_12 = arith.constant 0 : index
      %get3A_13 = arith.constant 0 : index
      %get3A_14 = arith.constant 0 : index
      %get3A_15 = vector.load %arg6[%get3A_12, %get3A_13, %get3A_14] : memref<1x1x4096xf32, #tpu.memory_space<vmem>>, vector<1x1x4096xf32>
      %get3A_16 = vector.shape_cast %get3A_15 : vector<1x1x4096xf32> to vector<1x4096xf32>
      %add3A = vector.broadcast %get3A_16 : vector<1x4096xf32> to vector<256x4096xf32>
      %add3A_17 = arith.addf %dot_general3A_11, %add3A : vector<256x4096xf32>
      %mul3A = arith.constant 5.000000e-01 : f32
      %mul3A_18 = vector.broadcast %mul3A : f32 to vector<256x4096xf32>
      %mul3A_19 = arith.mulf %mul3A_18, %add3A_17 : vector<256x4096xf32>
      %mul3A_20 = arith.constant 0.707106769 : f32
      %mul3A_21 = vector.broadcast %mul3A_20 : f32 to vector<256x4096xf32>
      %mul3A_22 = arith.mulf %add3A_17, %mul3A_21 : vector<256x4096xf32>
      %erf3A = math.erf %mul3A_22 : vector<256x4096xf32>
      %add3A_23 = arith.constant 1.000000e+00 : f32
      %add3A_24 = vector.broadcast %add3A_23 : f32 to vector<256x4096xf32>
      %add3A_25 = arith.addf %add3A_24, %erf3A : vector<256x4096xf32>
      %mul3A_26 = arith.mulf %mul3A_19, %add3A_25 : vector<256x4096xf32>
      %get3A_27 = arith.constant 0 : index
      %get3A_28 = arith.constant 0 : index
      %get3A_29 = arith.constant 0 : index
      %get3A_30 = vector.load %arg7[%get3A_27, %get3A_28, %get3A_29] : memref<1x4096x1024xf32, #tpu.memory_space<vmem>>, vector<1x4096x1024xf32>
      %get3A_31 = vector.shape_cast %get3A_30 : vector<1x4096x1024xf32> to vector<4096x1024xf32>
      %dot_general3A_32 = arith.constant dense<0.000000e+00> : vector<256x1024xf32>
      %dot_general3A_33 = tpu.matmul %mul3A_26, %get3A_31, %dot_general3A_32 {dimension_numbers = #tpu.dot_dimension_numbers<[1], [0], [0], [1], [0, 0, 1, 1], [], []>, transpose_lhs_hint = false} : vector<256x4096xf32>, vector<4096x1024xf32>, vector<256x1024xf32> -> vector<256x1024xf32>
      %get3A_34 = arith.constant 0 : index
      %get3A_35 = arith.constant 0 : index
      %get3A_36 = arith.constant 0 : index
      %get3A_37 = vector.load %arg8[%get3A_34, %get3A_35, %get3A_36] : memref<1x1x1024xf32, #tpu.memory_space<vmem>>, vector<1x1x1024xf32>
      %get3A_38 = vector.shape_cast %get3A_37 : vector<1x1x1024xf32> to vector<1x1024xf32>
      %add3A_39 = vector.broadcast %get3A_38 : vector<1x1024xf32> to vector<256x1024xf32>
      %add3A_40 = arith.addf %dot_general3A_33, %add3A_39 : vector<256x1024xf32>
      %get3A_41 = arith.constant 0 : index
      %get3A_42 = arith.constant 0 : index
      %get3A_43 = vector.load %arg9[%get3A_41, %get3A_42] : memref<256x1xf32, #tpu.memory_space<vmem>>, vector<256x1xf32>
      %mul3A_44 = vector.broadcast %get3A_43 : vector<256x1xf32> to vector<256x1024xf32>
      %mul3A_45 = arith.mulf %add3A_40, %mul3A_44 : vector<256x1024xf32>
      %swap3A = arith.constant 0 : index
      %swap3A_46 = arith.constant 0 : index
      %swap3A_47 = vector.load %arg10[%swap3A, %swap3A_46] : memref<256x1024xf32, #tpu.memory_space<vmem>>, vector<256x1024xf32>
      tpu.vector_store %arg10[%swap3A, %swap3A_46], %mul3A_45 {strides = array<i32>} : memref<256x1024xf32, #tpu.memory_space<vmem>>, vector<256x1024xf32>,
    } else {
    }
    return
  }
  func.func @transform_0(%arg0: i32, %arg1: memref<24xi32, #tpu.memory_space<smem>>, %arg2: memref<24xi32, #tpu.memory_space<smem>>, %arg3: memref<24xi32, #tpu.memory_space<smem>>) -> (i32, i32) {
    %get3A = arith.index_cast %arg0 : i32 to index
    %get3A_0 = memref.load %arg2[%get3A] : memref<24xi32, #tpu.memory_space<smem>>
    %c0_i32 = arith.constant 0 : i32
    %c0_i32_1 = arith.constant 0 : i32
    return %get3A_0, %c0_i32 : i32, i32
  }
  func.func @transform_1(%arg0: i32, %arg1: memref<24xi32, #tpu.memory_space<smem>>, %arg2: memref<24xi32, #tpu.memory_space<smem>>, %arg3: memref<24xi32, #tpu.memory_space<smem>>) -> (i32, i32, i32) {
    %get3A = arith.index_cast %arg0 : i32 to index
    %get3A_0 = memref.load %arg1[%get3A] : memref<24xi32, #tpu.memory_space<smem>>
    %c0_i32 = arith.constant 0 : i32
    %c0_i32_1 = arith.constant 0 : i32
    %c0_i32_2 = arith.constant 0 : i32
    return %get3A_0, %c0_i32, %c0_i32_1 : i32, i32, i32
  }
  func.func @transform_2(%arg0: i32, %arg1: memref<24xi32, #tpu.memory_space<smem>>, %arg2: memref<24xi32, #tpu.memory_space<smem>>, %arg3: memref<24xi32, #tpu.memory_space<smem>>) -> (i32, i32, i32) {
    %get3A = arith.index_cast %arg0 : i32 to index
    %get3A_0 = memref.load %arg1[%get3A] : memref<24xi32, #tpu.memory_space<smem>>
    %c0_i32 = arith.constant 0 : i32
    %c0_i32_1 = arith.constant 0 : i32
    %c0_i32_2 = arith.constant 0 : i32
    return %get3A_0, %c0_i32, %c0_i32_1 : i32, i32, i32
  }
  func.func @transform_3(%arg0: i32, %arg1: memref<24xi32, #tpu.memory_space<smem>>, %arg2: memref<24xi32, #tpu.memory_space<smem>>, %arg3: memref<24xi32, #tpu.memory_space<smem>>) -> (i32, i32, i32) {
    %get3A = arith.index_cast %arg0 : i32 to index
    %get3A_0 = memref.load %arg1[%get3A] : memref<24xi32, #tpu.memory_space<smem>>
    %c0_i32 = arith.constant 0 : i32
    %c0_i32_1 = arith.constant 0 : i32
    %c0_i32_2 = arith.constant 0 : i32
    return %get3A_0, %c0_i32, %c0_i32_1 : i32, i32, i32
  }
  func.func @transform_4(%arg0: i32, %arg1: memref<24xi32, #tpu.memory_space<smem>>, %arg2: memref<24xi32, #tpu.memory_space<smem>>, %arg3: memref<24xi32, #tpu.memory_space<smem>>) -> (i32, i32, i32) {
    %get3A = arith.index_cast %arg0 : i32 to index
    %get3A_0 = memref.load %arg1[%get3A] : memref<24xi32, #tpu.memory_space<smem>>
    %c0_i32 = arith.constant 0 : i32
    %c0_i32_1 = arith.constant 0 : i32
    %c0_i32_2 = arith.constant 0 : i32
    return %get3A_0, %c0_i32, %c0_i32_1 : i32, i32, i32
  }
  func.func @transform_5(%arg0: i32, %arg1: memref<24xi32, #tpu.memory_space<smem>>, %arg2: memref<24xi32, #tpu.memory_space<smem>>, %arg3: memref<24xi32, #tpu.memory_space<smem>>) -> (i32, i32) {
    %get3A = arith.index_cast %arg0 : i32 to index
    %get3A_0 = memref.load %arg2[%get3A] : memref<24xi32, #tpu.memory_space<smem>>
    %c0_i32 = arith.constant 0 : i32
    %c0_i32_1 = arith.constant 0 : i32
    return %get3A_0, %c0_i32 : i32, i32
  }
  func.func @transform_6(%arg0: i32, %arg1: memref<24xi32, #tpu.memory_space<smem>>, %arg2: memref<24xi32, #tpu.memory_space<smem>>, %arg3: memref<24xi32, #tpu.memory_space<smem>>) -> (i32, i32) {
    %c0_i32 = arith.constant 0 : i32
    %c0_i32_0 = arith.constant 0 : i32
    return %arg0, %c0_i32 : i32, i32
  }
}

module attributes {stable_mosaic.version = 14 : i64} {
  func.func @_add_body(%arg0: i32, %arg1: memref<512x1024xf32, #tpu.memory_space<vmem>>, %arg2: memref<512x1024xf32, #tpu.memory_space<vmem>>, %arg3: memref<512x1024xf32, #tpu.memory_space<vmem>>) attributes {dimension_semantics = [#tpu.dimension_semantics<arbitrary>], iteration_bounds = array<i64: 4>, scalar_prefetch = 0 : i64, scratch_operands = 0 : i64, tpu.core_type = #tpu.core_type<tc>, window_params = [{transform_indices = @transform_0, window_bounds = array<i64: 512, 1024>}, {transform_indices = @transform_1, window_bounds = array<i64: 512, 1024>}, {transform_indices = @transform_2, window_bounds = array<i64: 512, 1024>}]} {
    %get3A = arith.constant 0 : index
    %get3A_0 = arith.constant 0 : index
    %get3A_1 = vector.load %arg1[%get3A, %get3A_0] : memref<512x1024xf32, #tpu.memory_space<vmem>>, vector<512x1024xf32>
    %get3A_2 = arith.constant 0 : index
    %get3A_3 = arith.constant 0 : index
    %get3A_4 = vector.load %arg2[%get3A_2, %get3A_3] : memref<512x1024xf32, #tpu.memory_space<vmem>>, vector<512x1024xf32>
    %add3A = arith.addf %get3A_1, %get3A_4 : vector<512x1024xf32>
    %swap3A = arith.constant 0 : index
    %swap3A_5 = arith.constant 0 : index
    %swap3A_6 = vector.load %arg3[%swap3A, %swap3A_5] : memref<512x1024xf32, #tpu.memory_space<vmem>>, vector<512x1024xf32>
    tpu.vector_store %arg3[%swap3A, %swap3A_5], %add3A {strides = array<i32>} : memref<512x1024xf32, #tpu.memory_space<vmem>>, vector<512x1024xf32>,
    return
  }
  func.func @transform_0(%arg0: i32) -> (i32, i32) {
    %c0_i32 = arith.constant 0 : i32
    %c0_i32_0 = arith.constant 0 : i32
    return %arg0, %c0_i32 : i32, i32
  }
  func.func @transform_1(%arg0: i32) -> (i32, i32) {
    %add3A = arith.constant 4 : i32
    %add3A_0 = arith.addi %arg0, %add3A : i32
    %c0_i32 = arith.constant 0 : i32
    %c0_i32_1 = arith.constant 0 : i32
    return %add3A_0, %c0_i32 : i32, i32
  }
  func.func @transform_2(%arg0: i32) -> (i32, i32) {
    %c0_i32 = arith.constant 0 : i32
    %c0_i32_0 = arith.constant 0 : i32
    return %arg0, %c0_i32 : i32, i32
  }
}

</mosaic_0001>

<sc_bundles>
// kernel: kernel.10.cloned.1.call-start
scs
__scs_entry_jumppad:
0x0: {  	(pc) =	sbr.rel $0x88, $3  }
0x1: {  	(tag) =	ssettag $0x0;
	lr =	simm.s32 $0x1  }
0x2: {  	[smem:$0x3F9A] =	sst lr;
	_ =	strace $0xD0000000  }
0x3: {  	_ = 	snop  }
0x4: {  	_ = 	snop  }
0x5: {  	_ = 	snop  }
0x6: {  	_ = 	snop  }
0x7: {  	_ = 	snop  }
__scs_overlays_trampoline_lowered:
0x8: {  	[smem:$0x3FA9] =	sst s0  }
0x9: {  	[smem:$0x3FAA] =	sst s1  }
0xa: {  	[smem:$0x3FAB] =	sst s2  }
0xb: {  	[smem:$0x3FAC] =	sst s3  }
0xc: {  	[smem:$0x3FAD] =	sst s4  }
0xd: {  	[smem:$0x3FAE] =	sst s5  }
0xe: {  	[smem:$0x3FAF] =	sst s6  }
0xf: {  	[smem:$0x3FB0] =	sst s7  }
0x10: {  	[smem:$0x3FB1] =	sst s8  }
0x11: {  	[smem:$0x3FB2] =	sst s9;
	s0 =	simm.s32 @!p0 $0x0  }
0x12: {  	s1 =	sld [smem:$0x3F98];
	s0 =	simm.s32 @p0 $0x1  }
0x13: {  	[smem:$0x3FB3] =	sst s0;
	s0 =	simm.s32 @!p1 $0x0  }
0x14: {  	s2 =	sld [smem:$0x3F97];
	s0 =	simm.s32 @p1 $0x1  }
0x15: {  	[smem:$0x3FB4] =	sst s0;
	s0 =	simm.s32 @!p2 $0x0  }
0x16: {  	s3 =	sld [smem:$0x3FDB];
	s0 =	simm.s32 @p2 $0x1  }
0x17: {  	s4 =	simm.s32 $0x1BF5;
	[smem:$0x3FB6] =	sst s0  }
0x18: {  	s0 =	sld [smem:$0x3F99];
	_ =	swait.ge [sflag:s4], $0x0  }
0x19: {  	s7 =	sld [smem:$0x3F9A]  }
0x1a: {  	s8 =	sadd.s32 $0xFFFFE003, lr  }
0x1b: {  	s9 =	sadd.s32 $0xFFFFFEF7, lr;
	s5 =	simm.s32 $0xFFFFFFFF;
	p2 =	slt.u32 s8, $0xFFFFF086  }
0x1c: {  	p1 =	slt.u32 s9, $0xF7A;
	s5 =	simm.s32 @!p2 $0x0  }
0x1d: {  	s5 =	simm.s32 @p1 $0x1;
	p0 =	seq.s32 s7, s2  }
0x1e: {  	s7 =	smul.u32 @!p0 $0xF7A, s2;
	p2 =	seq.s32 @!p0 s5, $0x0  }
0x1f: {  	s9 =	smul.u32 $0xF7A, s1;
	s8 =	simm.s32 @!p0 $0x1BF5;
	p2 =	por !p2, p0  }
0x20: {  	[sflag:s8] =	ssyncset.s32 @!p0 $0xFFFFF086;
	s6 =	sadd.s32 @!p0 s3, s7;
	s7 =	simm.s32 @!p0 $0x108  }
0x21: {  	s3 =	sadd.s32 s3, s9;
	s6 =	sadd.s32 @!p0 $0x88, s6;
	s7 =	simm.s32 @p2 $0x1082  }
0x22: {  	[simem:s7], [sflag:s8] =	dma.local @!p0 [hbm:s6], $0xF7A  }
0x23: {  	s9 =	sor.u32 $0xD0000000, s2;
	s6 =	simm.s32 $0x108;
	_ =	swait.ge @!p0 [sflag:s8], $0x0  }
0x24: {  	s3 =	sadd.s32 $0x88, s3;
	s6 =	simm.s32 @!p1 $0x1082;
	[sflag:s4] =	ssyncset.s32 $0xFFFFF086  }
0x25: {  	[simem:s6], [sflag:s4] =	dma.local [hbm:s3], $0xF7A  }
0x26: {  	[smem:$0x3F9A] =	sst s1;
	(tag) =	ssettag s2;
	_ =	strace s9  }
0x27: {  	s1 =	sld [smem:$0x3FAA]  }
0x28: {  	s2 =	sld [smem:$0x3FAB]  }
0x29: {  	s4 =	sld [smem:$0x3FAD]  }
0x2a: {  	p0 =	seq.s32 s5, $0x0;
	s5 =	sld [smem:$0x3FAE]  }
0x2b: {  	s6 =	sld [smem:$0x3FAF]  }
0x2c: {  	s7 =	sld [smem:$0x3FB0]  }
0x2d: {  	s3 =	simm.s32 $0x108;
	s8 =	sld [smem:$0x3FB1]  }
0x2e: {  	s3 =	simm.s32 @!p0 $0x1082;
	s9 =	sld [smem:$0x3FB2]  }
0x2f: {  	lr =	sadd.s32 s0, s3;
	s0 =	sld [smem:$0x3FA9]  }
0x30: {  	s3 =	sld [smem:$0x3FAC]  }
0x31: {  	[smem:$0x3FB5] =	sst s10  }
0x32: {  	s10 =	sld [smem:$0x3FB3];
	_ =	sdelay $0x3  }
0x33: {  	p0 =	seq.s32 s10, $0x1;
	s10 =	sld [smem:$0x3FB5];
	_ =	sdelay $0x3  }
0x34: {  	[smem:$0x3FB5] =	sst s10  }
0x35: {  	s10 =	sld [smem:$0x3FB4];
	_ =	sdelay $0x3  }
0x36: {  	p1 =	seq.s32 s10, $0x1;
	s10 =	sld [smem:$0x3FB5];
	_ =	sdelay $0x3  }
0x37: {  	[smem:$0x3FB5] =	sst s10  }
0x38: {  	s10 =	sld [smem:$0x3FB6]  }
0x39: {  	_ = 	snop;
	(pc) =	sbr.ind lr, $3  }
0x3a: {  	_ = 	snop  }
0x3b: {  	_ = 	snop  }
0x3c: {  	p2 =	seq.s32 s10, $0x1;
	s10 =	sld [smem:$0x3FB5]  }
0x3d: {  	_ =	shalt  }
0x3e: {  	_ =	shalt  }
0x3f: {  	_ =	shalt  }
0x40: {  	_ =	shalt  }
0x41: {  	_ =	shalt  }
0x42: {  	_ =	shalt  }
0x43: {  	_ =	shalt  }
0x44: {  	_ =	shalt  }
0x45: {  	_ =	shalt  }
0x46: {  	_ =	shalt  }
0x47: {  	_ =	shalt  }
0x48: {  	_ =	shalt  }
0x49: {  	_ =	shalt  }
0x4a: {  	_ =	shalt  }
0x4b: {  	_ =	shalt  }
0x4c: {  	_ =	shalt  }
0x4d: {  	_ =	shalt  }
0x4e: {  	_ =	shalt  }
0x4f: {  	_ =	shalt  }
0x50: {  	_ =	shalt  }
0x51: {  	_ =	shalt  }
0x52: {  	_ =	shalt  }
0x53: {  	_ =	shalt  }
0x54: {  	_ =	shalt  }
0x55: {  	_ =	shalt  }
0x56: {  	_ =	shalt  }
0x57: {  	_ =	shalt  }
0x58: {  	_ =	shalt  }
0x59: {  	_ =	shalt  }
0x5a: {  	_ =	shalt  }
0x5b: {  	_ =	shalt  }
0x5c: {  	_ =	shalt  }
0x5d: {  	_ =	shalt  }
0x5e: {  	_ =	shalt  }
0x5f: {  	_ =	shalt  }
0x60: {  	_ =	shalt  }
0x61: {  	_ =	shalt  }
0x62: {  	_ =	shalt  }
0x63: {  	_ =	shalt  }
0x64: {  	_ =	shalt  }
0x65: {  	_ =	shalt  }
0x66: {  	_ =	shalt  }
0x67: {  	_ =	shalt  }
0x68: {  	_ =	shalt  }
0x69: {  	_ =	shalt  }
0x6a: {  	_ =	shalt  }
0x6b: {  	_ =	shalt  }
0x6c: {  	_ =	shalt  }
0x6d: {  	_ =	shalt  }
0x6e: {  	_ =	shalt  }
0x6f: {  	_ =	shalt  }
0x70: {  	_ =	shalt  }
0x71: {  	_ =	shalt  }
0x72: {  	_ =	shalt  }
0x73: {  	_ =	shalt  }
0x74: {  	_ =	shalt  }
0x75: {  	_ =	shalt  }
0x76: {  	_ =	shalt  }
0x77: {  	_ =	shalt  }
0x78: {  	_ =	shalt  }
0x79: {  	_ =	shalt  }
0x7a: {  	_ =	shalt  }
0x7b: {  	_ =	shalt  }
0x7c: {  	_ =	shalt  }
0x7d: {  	_ =	shalt  }
0x7e: {  	_ =	shalt  }
0x7f: {  	_ =	shalt  }
0x80: {  	_ =	shalt  }
0x81: {  	_ =	shalt  }
0x82: {  	_ =	shalt  }
0x83: {  	_ =	shalt  }
0x84: {  	_ =	shalt  }
0x85: {  	_ =	shalt  }
0x86: {  	_ =	shalt  }
0x87: {  	_ =	shalt  }
.Lfunc_end0:
.L_simem_size_0:
called_computation.1_lowered:
.L_overlay_start_0:
0x88: {  	s2 =	sld [smem:$0x3FD9]  }
0x89: {  	s3 =	sld [smem:$0x3FFE];
	_ =	sdelay $0x1  }
0x8a: {  	s1 =	srdreg.scid  }
0x8b: {  	s0 =	sand.u32 $0x1, s1  }
0x8c: {  	s16 =	sshll.u32 s0, $0xA;
	s2 =	sadd.s32 s3, s2  }
0x8d: {  	s2 =	sadd.s32 s2, s16  }
0x8e: {  	[smem:$0x3FC1] =	sst s2  }
0x8f: {  	_ = 	snop  }
0x90: {  	(tm) =	ssettm $0x1  }
0x91: {  	s17 =	sld [smem:$0x3FFB];
	_ =	sdelay $0x3  }
0x92: {  	_ =	strace s17  }
0x93: {  	s2 =	sld [smem:$0x3FFC];
	_ =	sdelay $0x3  }
0x94: {  	_ =	strace s2  }
0x95: {  	s2 =	sld [smem:$0x3FFD];
	_ =	sdelay $0x3  }
0x96: {  	_ =	strace s2  }
0x97: {  	_ =	strace $0x8FFFFFFF  }
0x98: {  	s18 =	sld [smem:$0x3FDB];
	_ =	sdelay $0x1  }
0x99: {  	s19 =	simm.s32 $_scs_section_size  }
0x9a: {  	s4 =	simm.s32 $_size__tile_overlayer_lowered;
	s5 =	simm.s32 $_tile_overlayer_lowered  }
0x9b: {  	s22 =	simm.s32 $0x1BFF;
	s21 =	sshll.u32 s5, $0x1;
	s2 =	sadd.s32 s19, s18  }
0x9c: {  	s6 =	simm.s32 $0x0;
	s20 =	sshll.u32 s4, $0x1;
	s4 =	sadd.s32 s21, s2  }
0x9d: {  	[timem:s6], [sflag:s22] =	dma.local [hbm:s4], s20  }
0x9e: {  	_ =	swait.ge [sflag:s22], s20  }
0x9f: {  	s3 =	ssub.s32 $0x0, s20;
	[sflag:s22] =	ssyncset.done $0x0  }
0xa0: {  	[sflag:s22] =	ssyncadd.s32 s3;
	_ =	sdelay $0x1  }
0xa1: {  	s23 =	simm.s32 $0x1B8B  }
0xa2: {  	_ =	swait.ge [sflag:s23], $0x1  }
0xa3: {  	[sflag:s23] =	ssyncset.done $0x0  }
0xa4: {  	s25 =	simm.s32 $0x1B8E;
	s24 =	sld [smem:$0x3FFE];
	[sflag:s23] =	ssyncadd.s32 $0xFFFFFFFF  }
0xa5: {  	s26 =	simm.s32 $execute0_lowered;
	[smem:$0x3FD2] =	sst s25  }
0xa6: {  	s4 =	sshll.u32 s26, $0x1;
	_ =	strace $0x80000049;
	[dreg:$0x1] =	wrdreg $0xFFFFFFFF  }
0xa7: {  	s28 =	simm.s32 $_size_execute0_lowered;
	s2 =	sadd.s32 s2, s4;
	[dreg:$0x0] =	wrdreg $0x0  }
0xa8: {  	s4 =	sshll.u32 s28, $0x1;
	[dreg:$0x2] =	wrdreg s2  }
0xa9: {  	[dreg:$0x3] =	wrdreg s4  }
0xaa: {  	[dreg:$0x4] =	wrdreg $0xC0  }
0xab: {  	_ =	task [dreg:s6], $0x5FFFF  }
0xac: {  	[dreg:$0x1] =	wrdreg $0xFFFFFFFF  }
0xad: {  	[dreg:$0x0] =	wrdreg $0x60  }
0xae: {  	[dreg:$0x2] =	wrdreg s24  }
0xaf: {  	[dreg:$0x3] =	wrdreg $0x9  }
0xb0: {  	_ =	task.clear_ibuf [dreg:s6], $0x4FFFF;
	_ =	strace $0x90000049  }
0xb1: {  	s29 =	simm.s32 $0x9;
	_ =	strace $0x8000004B  }
0xb2: {  	_ =	swait.ge [sflag:s29], $0x1  }
0xb3: {  	[sflag:s29] =	ssyncadd.s32 $0xFFFFFFFF  }
0xb4: {  	_ =	strace $0x9000004B  }
0xb5: {  	_ =	sfence  }
0xb6: {  	s30 =	sld [smem:$0x0];
	_ =	sdelay $0x2  }
0xb7: {  	s31 =	sshll.u32 s1, $0xD;
	s1 =	sshrl.u32 s1, $0x2  }
0xb8: {  	s3 =	sand.u32 $0x4000, s31;
	s1 =	sadd.s32 s1, s30  }
0xb9: {  	s0 =	sor.u32 s3, s0;
	s1 =	sshll.u32 s1, $0x11  }
0xba: {  	s0 =	sor.u32 s1, s0  }
0xbb: {  	s0 =	sadd.s32 $0x8F2B, s0  }
0xbc: {  	[sflag:s0] =	ssyncadd.remote.s32 $0x1  }
0xbd: {  	_ =	sfence.sel $0xFFFF  }
0xbe: {  	[dreg:$0x0] =	wrdreg $0xFFFFFFFF;
	(pc) =	sbr.abs _section_cstart, $3  }
0xbf: {  	[dreg:$0x1] =	wrdreg $0xFFFFFFFF  }
0xc0: {  	_ =	task.clear_ibuf [dreg:s6], $0x2FFFF;
	_ =	strace $0x9FFFFFFF  }
0xc1: {  	(tm) =	ssettm $0x7FFFFFFF  }
tec
execute0_lowered:
.L_overlay_start_1:
0x0: {  	(tag) =	ssettag $0x1  }
0x1: {  	s0 =	rddreg [dreg:$0x0]  }
0x2: {  	s1 =	srdreg.scid;
	s3 =	stileid.u32  }
0x3: {  	s2 =	simm.s32 $0x0;
	s19 =	simm.s32 $0x3;
	s20 =	simm.s32 $0x2  }
0x4: {  	s21 =	simm.s32 $0x4;
	s23 =	simm.s32 $0x880;
	s28 =	simm.s32 $0x2080  }
0x5: {  	s29 =	simm.s32 $0x2880;
	s30 =	simm.s32 $0x3080;
	s31 =	simm.s32 $0x3880  }
0x6: {  	s10 =	simm.s32 $0x5080;
	s11 =	simm.s32 $0x5880;
	s12 =	simm.s32 $0x6080  }
0x7: {  	s13 =	simm.s32 $0x6880;
	s14 =	simm.s32 $0x7080;
	s15 =	simm.s32 $0x7880  }
0x8: {  	s18 =	simm.s32 $0x8080;
	s16 =	simm.s32 $0x8880;
	s1 =	sand.u32 $0x1, s1  }
0x9: {  	s3 =	sshll.u32 s3, $0x8;
	[smem:$0x7FF] =	sst s2;
	s4 =	sshll.u32 s1, $0x7  }
0xa: {  	s17 =	simm.s32 $0x9080;
	_ =	strace $0x8000004A;
	s4 =	sor.u32 s4, s3  }
0xb: {  	s1 =	ssub.s32 $0x2, s1;
	s3 =	sadd.s32 $0xE5000, s0;
	s5 =	sshrl.u32 s4, $0x3  }
0xc: {  	s24 =	sshrl.u32 s1, $0x1;
	s4 =	sshll.u32 s4, $0x7;
	s5 =	sadd.s32 s5, s0  }
0xd: {  	s1 =	ssub.s32 s1, s24;
	s7 =	sadd.s32 s4, s0;
	s5 =	sadd.s32 $0x2800, s5  }
0xe: {  	s24 =	simm.s32 $0x1080;
	s25 =	sadd.s32 $0x25000, s7;
	[dreg:$0x2] =	wrdreg s5  }
0xf: {  	s4 =	sadd.s32 $0xE5100, s0;
	s6 =	sadd.s32 $0x26000, s7;
	[dreg:$0x3] =	wrdreg s25  }
0x10: {  	s8 =	sadd.s32 $0x27000, s7;
	s26 =	sadd.s32 $0x28000, s7;
	[dreg:$0x4] =	wrdreg s6  }
0x11: {  	v2 =	vlaneseq.u32;
	s7 =	smax.u32 s1, $0x1;
	s1 =	simm.s32 $0x4880;
	[dreg:$0x5] =	wrdreg s8  }
0x12: {  	vm0 =	vmmov $0xffff;
	v1 =	vshrl.u32 v2, $0x3;
	s5 =	sadd.s32 $0xE5200, s0;
	s6 =	sadd.s32 $0xE5300, s0;
	[dreg:$0x6] =	wrdreg s26  }
0x13: {  	v0 =	vand.u32 $0x7, v2;
	v2 =	vor.u32 $0x8, v2;
	v1 =	vmul.u32 $0x8, v1;
	s8 =	simm.s32 $0x1;
	s25 =	simm.s32 $0x80;
	s26 =	simm.s32 $0x1880  }
.LBB2_1:
0x14: {  	s22 =	rddreg [dreg:$0x2];
	s0 =	simm.s32 $0x5  }
0x15: {  	[tilespmem:s2], [sflag:$0x5] =	stream.linear.gather [hbm4b:s22+s2], $0x80, $0x38;
	[tilespmem:$0x10080] =	vst v63  }
0x16: {  	_ =	swait.ge [sflag:s0], $0x80  }
0x17: {  	[sflag:s0] =	ssyncset.done $0x0  }
0x18: {  	[sflag:s0] =	ssyncadd.s32 $0xFFFFFF80  }
0x19: {  	v3 =	vld [tilespmem:$0x0];
	_ =	sdelay $0x4  }
0x1a: {  	v4 =	vshll.u32 v3, $0x3  }
0x1b: {  	v3 =	vand.u32 $0x7, v3;
	v4 =	vand.u32 $0xFFFFFFC0, v4  }
0x1c: {  	v3 =	vor.u32 v3, v4  }
0x1d: {  	v4 =	vperm.xlane v3, v0;
	_ =	sdelay $0x1  }
0x1e: {  	v4 =	vadd.s32 v1, v4;
	_ =	sdelay $0x4  }
0x1f: {  	[tilespmem:s25], [sflag:$0x1] =	stream.indirect_vreg.gather [hbm4b:s3+s2], $0x80, v4, vm0, $0xb8;
	[tilespmem:$0x10080] =	vst v63  }
0x20: {  	v3 =	vperm.xlane v3, v2  }
0x21: {  	[tilespmem:s23], [sflag:$0x1] =	stream.indirect_vreg.gather [hbm4b:s4+s2], $0x80, v4, vm0, $0xb8;
	[tilespmem:$0x10080] =	vst v63  }
0x22: {  	v3 =	vadd.s32 v1, v3  }
0x23: {  	[tilespmem:s24], [sflag:$0x1] =	stream.indirect_vreg.gather [hbm4b:s5+s2], $0x80, v4, vm0, $0xb8;
	[tilespmem:$0x10080] =	vst v63  }
0x24: {  	_ = 	snop  }
0x25: {  	[tilespmem:s26], [sflag:$0x1] =	stream.indirect_vreg.gather [hbm4b:s6+s2], $0x80, v4, vm0, $0xb8;
	[tilespmem:$0x10080] =	vst v63  }
0x26: {  	_ = 	snop  }
0x27: {  	[tilespmem:s28], [sflag:$0x1] =	stream.indirect_vreg.gather [hbm4b:s3+s2], $0x80, v3, vm0, $0xb8;
	[tilespmem:$0x10080] =	vst v63  }
0x28: {  	_ = 	snop  }
0x29: {  	[tilespmem:s29], [sflag:$0x1] =	stream.indirect_vreg.gather [hbm4b:s4+s2], $0x80, v3, vm0, $0xb8;
	[tilespmem:$0x10080] =	vst v63  }
0x2a: {  	_ = 	snop  }
0x2b: {  	[tilespmem:s30], [sflag:$0x1] =	stream.indirect_vreg.gather [hbm4b:s5+s2], $0x80, v3, vm0, $0xb8;
	[tilespmem:$0x10080] =	vst v63  }
0x2c: {  	_ = 	snop  }
0x2d: {  	[tilespmem:s31], [sflag:$0x1] =	stream.indirect_vreg.gather [hbm4b:s6+s2], $0x80, v3, vm0, $0xb8;
	[tilespmem:$0x10080] =	vst v63  }
0x2e: {  	v3 =	vld [tilespmem:$0x10];
	_ =	sdelay $0x4  }
0x2f: {  	v57 =	vshll.u32 v3, $0x3  }
0x30: {  	v3 =	vand.u32 $0x7, v3;
	v4 =	vand.u32 $0xFFFFFFC0, v57  }
0x31: {  	v3 =	vor.u32 v3, v4  }
0x32: {  	v4 =	vperm.xlane v3, v0;
	_ =	sdelay $0x1  }
0x33: {  	v4 =	vadd.s32 v1, v4;
	_ =	sdelay $0x3  }
0x34: {  	s0 =	simm.s32 $0x4080  }
0x35: {  	[tilespmem:s0], [sflag:$0x1] =	stream.indirect_vreg.gather [hbm4b:s3+s2], $0x80, v4, vm0, $0xb8;
	[tilespmem:$0x10080] =	vst v63  }
0x36: {  	v3 =	vperm.xlane v3, v2  }
0x37: {  	[tilespmem:s1], [sflag:$0x1] =	stream.indirect_vreg.gather [hbm4b:s4+s2], $0x80, v4, vm0, $0xb8;
	[tilespmem:$0x10080] =	vst v63  }
0x38: {  	v3 =	vadd.s32 v1, v3  }
0x39: {  	[tilespmem:s10], [sflag:$0x1] =	stream.indirect_vreg.gather [hbm4b:s5+s2], $0x80, v4, vm0, $0xb8;
	[tilespmem:$0x10080] =	vst v63  }
0x3a: {  	_ = 	snop  }
0x3b: {  	[tilespmem:s11], [sflag:$0x1] =	stream.indirect_vreg.gather [hbm4b:s6+s2], $0x80, v4, vm0, $0xb8;
	[tilespmem:$0x10080] =	vst v63  }
0x3c: {  	_ = 	snop  }
0x3d: {  	[tilespmem:s12], [sflag:$0x1] =	stream.indirect_vreg.gather [hbm4b:s3+s2], $0x80, v3, vm0, $0xb8;
	[tilespmem:$0x10080] =	vst v63  }
0x3e: {  	_ = 	snop  }
0x3f: {  	[tilespmem:s13], [sflag:$0x1] =	stream.indirect_vreg.gather [hbm4b:s4+s2], $0x80, v3, vm0, $0xb8;
	[tilespmem:$0x10080] =	vst v63  }
0x40: {  	_ = 	snop  }
0x41: {  	[tilespmem:s14], [sflag:$0x1] =	stream.indirect_vreg.gather [hbm4b:s5+s2], $0x80, v3, vm0, $0xb8;
	[tilespmem:$0x10080] =	vst v63  }
0x42: {  	_ = 	snop  }
0x43: {  	[tilespmem:s15], [sflag:$0x1] =	stream.indirect_vreg.gather [hbm4b:s6+s2], $0x80, v3, vm0, $0xb8;
	[tilespmem:$0x10080] =	vst v63  }
0x44: {  	v3 =	vld [tilespmem:$0x20];
	_ =	sdelay $0x4  }
0x45: {  	v58 =	vshll.u32 v3, $0x3  }
0x46: {  	v3 =	vand.u32 $0x7, v3;
	v4 =	vand.u32 $0xFFFFFFC0, v58  }
0x47: {  	v3 =	vor.u32 v3, v4  }
0x48: {  	v4 =	vperm.xlane v3, v0;
	_ =	sdelay $0x1  }
0x49: {  	v4 =	vadd.s32 v1, v4;
	_ =	sdelay $0x4  }
0x4a: {  	[tilespmem:s18], [sflag:$0x2] =	stream.indirect_vreg.gather [hbm4b:s3+s2], $0x80, v4, vm0, $0xb8;
	[tilespmem:$0x10080] =	vst v63  }
0x4b: {  	v3 =	vperm.xlane v3, v2  }
0x4c: {  	[tilespmem:s16], [sflag:$0x2] =	stream.indirect_vreg.gather [hbm4b:s4+s2], $0x80, v4, vm0, $0xb8;
	[tilespmem:$0x10080] =	vst v63  }
0x4d: {  	v3 =	vadd.s32 v1, v3  }
0x4e: {  	[tilespmem:s17], [sflag:$0x2] =	stream.indirect_vreg.gather [hbm4b:s5+s2], $0x80, v4, vm0, $0xb8;
	[tilespmem:$0x10080] =	vst v63  }
0x4f: {  	s9 =	simm.s32 $0x9880  }
0x50: {  	[tilespmem:s9], [sflag:$0x2] =	stream.indirect_vreg.gather [hbm4b:s6+s2], $0x80, v4, vm0, $0xb8;
	[tilespmem:$0x10080] =	vst v63  }
0x51: {  	s9 =	simm.s32 $0xA080  }
0x52: {  	[tilespmem:s9], [sflag:$0x2] =	stream.indirect_vreg.gather [hbm4b:s3+s2], $0x80, v3, vm0, $0xb8;
	[tilespmem:$0x10080] =	vst v63  }
0x53: {  	s22 =	simm.s32 $0xA880  }
0x54: {  	[tilespmem:s22], [sflag:$0x2] =	stream.indirect_vreg.gather [hbm4b:s4+s2], $0x80, v3, vm0, $0xb8;
	[tilespmem:$0x10080] =	vst v63  }
0x55: {  	s22 =	simm.s32 $0xB080  }
0x56: {  	[tilespmem:s22], [sflag:$0x2] =	stream.indirect_vreg.gather [hbm4b:s5+s2], $0x80, v3, vm0, $0xb8;
	[tilespmem:$0x10080] =	vst v63  }
0x57: {  	s22 =	simm.s32 $0xB880  }
0x58: {  	[tilespmem:s22], [sflag:$0x2] =	stream.indirect_vreg.gather [hbm4b:s6+s2], $0x80, v3, vm0, $0xb8;
	[tilespmem:$0x10080] =	vst v63  }
0x59: {  	v3 =	vld [tilespmem:$0x30];
	_ =	sdelay $0x4  }
0x5a: {  	v59 =	vshll.u32 v3, $0x3  }
0x5b: {  	v3 =	vand.u32 $0x7, v3;
	v4 =	vand.u32 $0xFFFFFFC0, v59  }
0x5c: {  	v3 =	vor.u32 v3, v4  }
0x5d: {  	v4 =	vperm.xlane v3, v0;
	_ =	sdelay $0x1  }
0x5e: {  	v4 =	vadd.s32 v1, v4;
	_ =	sdelay $0x3  }
0x5f: {  	s22 =	simm.s32 $0xC080  }
0x60: {  	[tilespmem:s22], [sflag:$0x2] =	stream.indirect_vreg.gather [hbm4b:s3+s2], $0x80, v4, vm0, $0xb8;
	[tilespmem:$0x10080] =	vst v63  }
0x61: {  	v3 =	vperm.xlane v3, v2;
	s22 =	simm.s32 $0xC880  }
0x62: {  	[tilespmem:s22], [sflag:$0x2] =	stream.indirect_vreg.gather [hbm4b:s4+s2], $0x80, v4, vm0, $0xb8;
	[tilespmem:$0x10080] =	vst v63  }
0x63: {  	v3 =	vadd.s32 v1, v3;
	s22 =	simm.s32 $0xD080  }
0x64: {  	[tilespmem:s22], [sflag:$0x2] =	stream.indirect_vreg.gather [hbm4b:s5+s2], $0x80, v4, vm0, $0xb8;
	[tilespmem:$0x10080] =	vst v63  }
0x65: {  	s22 =	simm.s32 $0xD880  }
0x66: {  	[tilespmem:s22], [sflag:$0x2] =	stream.indirect_vreg.gather [hbm4b:s6+s2], $0x80, v4, vm0, $0xb8;
	[tilespmem:$0x10080] =	vst v63  }
0x67: {  	s22 =	simm.s32 $0xE080  }
0x68: {  	[tilespmem:s22], [sflag:$0x2] =	stream.indirect_vreg.gather [hbm4b:s3+s2], $0x80, v3, vm0, $0xb8;
	[tilespmem:$0x10080] =	vst v63  }
0x69: {  	s22 =	simm.s32 $0xE880  }
0x6a: {  	[tilespmem:s22], [sflag:$0x2] =	stream.indirect_vreg.gather [hbm4b:s4+s2], $0x80, v3, vm0, $0xb8;
	[tilespmem:$0x10080] =	vst v63  }
0x6b: {  	s22 =	simm.s32 $0xF080  }
0x6c: {  	[tilespmem:s22], [sflag:$0x2] =	stream.indirect_vreg.gather [hbm4b:s5+s2], $0x80, v3, vm0, $0xb8;
	[tilespmem:$0x10080] =	vst v63  }
0x6d: {  	s22 =	simm.s32 $0xF880  }
0x6e: {  	[tilespmem:s22], [sflag:$0x2] =	stream.indirect_vreg.gather [hbm4b:s6+s2], $0x80, v3, vm0, $0xb8;
	[tilespmem:$0x10080] =	vst v63  }
0x6f: {  	_ =	swait.ge [sflag:s8], $0x8000  }
0x70: {  	[sflag:s8] =	ssyncset.done $0x0  }
0x71: {  	s22 =	rddreg [dreg:$0x3];
	[sflag:s8] =	ssyncadd.s32 $0xFFFF8000  }
0x72: {  	[hbm4b:s22+s2] =	stream.linear.scatter [tilespmem:s25], [sflag:$0x3], $0x8000, $0x38;
	[tilespmem:$0x10080] =	vst v63  }
0x73: {  	_ =	swait.ge [sflag:s19], $0x8000  }
0x74: {  	[sflag:s19] =	ssyncset.done $0x0  }
0x75: {  	[sflag:s19] =	ssyncadd.s32 $0xFFFF8000  }
0x76: {  	v3 =	vld [tilespmem:$0x40];
	_ =	sdelay $0x4  }
0x77: {  	v60 =	vshll.u32 v3, $0x3  }
0x78: {  	v3 =	vand.u32 $0x7, v3;
	v4 =	vand.u32 $0xFFFFFFC0, v60  }
0x79: {  	v3 =	vor.u32 v3, v4  }
0x7a: {  	v4 =	vperm.xlane v3, v0;
	_ =	sdelay $0x1  }
0x7b: {  	v4 =	vadd.s32 v1, v4;
	_ =	sdelay $0x4  }
0x7c: {  	[tilespmem:s25], [sflag:$0x1] =	stream.indirect_vreg.gather [hbm4b:s3+s2], $0x80, v4, vm0, $0xb8;
	[tilespmem:$0x10080] =	vst v63  }
0x7d: {  	v3 =	vperm.xlane v3, v2  }
0x7e: {  	[tilespmem:s23], [sflag:$0x1] =	stream.indirect_vreg.gather [hbm4b:s4+s2], $0x80, v4, vm0, $0xb8;
	[tilespmem:$0x10080] =	vst v63  }
0x7f: {  	v3 =	vadd.s32 v1, v3  }
0x80: {  	[tilespmem:s24], [sflag:$0x1] =	stream.indirect_vreg.gather [hbm4b:s5+s2], $0x80, v4, vm0, $0xb8;
	[tilespmem:$0x10080] =	vst v63  }
0x81: {  	_ = 	snop  }
0x82: {  	[tilespmem:s26], [sflag:$0x1] =	stream.indirect_vreg.gather [hbm4b:s6+s2], $0x80, v4, vm0, $0xb8;
	[tilespmem:$0x10080] =	vst v63  }
0x83: {  	_ = 	snop  }
0x84: {  	[tilespmem:s28], [sflag:$0x1] =	stream.indirect_vreg.gather [hbm4b:s3+s2], $0x80, v3, vm0, $0xb8;
	[tilespmem:$0x10080] =	vst v63  }
0x85: {  	_ = 	snop  }
0x86: {  	[tilespmem:s29], [sflag:$0x1] =	stream.indirect_vreg.gather [hbm4b:s4+s2], $0x80, v3, vm0, $0xb8;
	[tilespmem:$0x10080] =	vst v63  }
0x87: {  	_ = 	snop  }
0x88: {  	[tilespmem:s30], [sflag:$0x1] =	stream.indirect_vreg.gather [hbm4b:s5+s2], $0x80, v3, vm0, $0xb8;
	[tilespmem:$0x10080] =	vst v63  }
0x89: {  	_ = 	snop  }
0x8a: {  	[tilespmem:s31], [sflag:$0x1] =	stream.indirect_vreg.gather [hbm4b:s6+s2], $0x80, v3, vm0, $0xb8;
	[tilespmem:$0x10080] =	vst v63  }
0x8b: {  	v3 =	vld [tilespmem:$0x50];
	_ =	sdelay $0x4  }
0x8c: {  	v61 =	vshll.u32 v3, $0x3  }
0x8d: {  	v3 =	vand.u32 $0x7, v3;
	v4 =	vand.u32 $0xFFFFFFC0, v61  }
0x8e: {  	v3 =	vor.u32 v3, v4  }
0x8f: {  	v4 =	vperm.xlane v3, v0;
	_ =	sdelay $0x1  }
0x90: {  	v4 =	vadd.s32 v1, v4;
	_ =	sdelay $0x4  }
0x91: {  	[tilespmem:s0], [sflag:$0x1] =	stream.indirect_vreg.gather [hbm4b:s3+s2], $0x80, v4, vm0, $0xb8;
	[tilespmem:$0x10080] =	vst v63  }
0x92: {  	v3 =	vperm.xlane v3, v2  }
0x93: {  	[tilespmem:s1], [sflag:$0x1] =	stream.indirect_vreg.gather [hbm4b:s4+s2], $0x80, v4, vm0, $0xb8;
	[tilespmem:$0x10080] =	vst v63  }
0x94: {  	v3 =	vadd.s32 v1, v3  }
0x95: {  	[tilespmem:s10], [sflag:$0x1] =	stream.indirect_vreg.gather [hbm4b:s5+s2], $0x80, v4, vm0, $0xb8;
	[tilespmem:$0x10080] =	vst v63  }
0x96: {  	_ = 	snop  }
0x97: {  	[tilespmem:s11], [sflag:$0x1] =	stream.indirect_vreg.gather [hbm4b:s6+s2], $0x80, v4, vm0, $0xb8;
	[tilespmem:$0x10080] =	vst v63  }
0x98: {  	_ = 	snop  }
0x99: {  	[tilespmem:s12], [sflag:$0x1] =	stream.indirect_vreg.gather [hbm4b:s3+s2], $0x80, v3, vm0, $0xb8;
	[tilespmem:$0x10080] =	vst v63  }
0x9a: {  	_ = 	snop  }
0x9b: {  	[tilespmem:s13], [sflag:$0x1] =	stream.indirect_vreg.gather [hbm4b:s4+s2], $0x80, v3, vm0, $0xb8;
	[tilespmem:$0x10080] =	vst v63  }
0x9c: {  	_ = 	snop  }
0x9d: {  	[tilespmem:s14], [sflag:$0x1] =	stream.indirect_vreg.gather [hbm4b:s5+s2], $0x80, v3, vm0, $0xb8;
	[tilespmem:$0x10080] =	vst v63  }
0x9e: {  	_ = 	snop  }
0x9f: {  	[tilespmem:s15], [sflag:$0x1] =	stream.indirect_vreg.gather [hbm4b:s6+s2], $0x80, v3, vm0, $0xb8;
	[tilespmem:$0x10080] =	vst v63  }
0xa0: {  	_ =	swait.ge [sflag:s20], $0x8000  }
0xa1: {  	[sflag:s20] =	ssyncset.done $0x0  }
0xa2: {  	s0 =	rddreg [dreg:$0x4];
	[sflag:s20] =	ssyncadd.s32 $0xFFFF8000  }
0xa3: {  	[hbm4b:s0+s2] =	stream.linear.scatter [tilespmem:s18], [sflag:$0x4], $0x8000, $0x38;
	[tilespmem:$0x10080] =	vst v63  }
0xa4: {  	_ =	swait.ge [sflag:s21], $0x8000  }
0xa5: {  	[sflag:s21] =	ssyncset.done $0x0  }
0xa6: {  	[sflag:s21] =	ssyncadd.s32 $0xFFFF8000  }
0xa7: {  	v3 =	vld [tilespmem:$0x60];
	_ =	sdelay $0x4  }
0xa8: {  	v62 =	vshll.u32 v3, $0x3  }
0xa9: {  	v3 =	vand.u32 $0x7, v3;
	v4 =	vand.u32 $0xFFFFFFC0, v62  }
0xaa: {  	v3 =	vor.u32 v3, v4  }
0xab: {  	v4 =	vperm.xlane v3, v0;
	_ =	sdelay $0x1  }
0xac: {  	v4 =	vadd.s32 v1, v4;
	_ =	sdelay $0x4  }
0xad: {  	[tilespmem:s18], [sflag:$0x2] =	stream.indirect_vreg.gather [hbm4b:s3+s2], $0x80, v4, vm0, $0xb8;
	[tilespmem:$0x10080] =	vst v63  }
0xae: {  	v3 =	vperm.xlane v3, v2  }
0xaf: {  	[tilespmem:s16], [sflag:$0x2] =	stream.indirect_vreg.gather [hbm4b:s4+s2], $0x80, v4, vm0, $0xb8;
	[tilespmem:$0x10080] =	vst v63  }
0xb0: {  	v3 =	vadd.s32 v1, v3  }
0xb1: {  	[tilespmem:s17], [sflag:$0x2] =	stream.indirect_vreg.gather [hbm4b:s5+s2], $0x80, v4, vm0, $0xb8;
	[tilespmem:$0x10080] =	vst v63  }
0xb2: {  	s22 =	simm.s32 $0x9880  }
0xb3: {  	[tilespmem:s22], [sflag:$0x2] =	stream.indirect_vreg.gather [hbm4b:s6+s2], $0x80, v4, vm0, $0xb8;
	[tilespmem:$0x10080] =	vst v63  }
0xb4: {  	_ = 	snop  }
0xb5: {  	[tilespmem:s9], [sflag:$0x2] =	stream.indirect_vreg.gather [hbm4b:s3+s2], $0x80, v3, vm0, $0xb8;
	[tilespmem:$0x10080] =	vst v63  }
0xb6: {  	s22 =	simm.s32 $0xA880  }
0xb7: {  	[tilespmem:s22], [sflag:$0x2] =	stream.indirect_vreg.gather [hbm4b:s4+s2], $0x80, v3, vm0, $0xb8;
	[tilespmem:$0x10080] =	vst v63  }
0xb8: {  	s9 =	simm.s32 $0xB080  }
0xb9: {  	[tilespmem:s9], [sflag:$0x2] =	stream.indirect_vreg.gather [hbm4b:s5+s2], $0x80, v3, vm0, $0xb8;
	[tilespmem:$0x10080] =	vst v63  }
0xba: {  	s22 =	simm.s32 $0xB880  }
0xbb: {  	[tilespmem:s22], [sflag:$0x2] =	stream.indirect_vreg.gather [hbm4b:s6+s2], $0x80, v3, vm0, $0xb8;
	[tilespmem:$0x10080] =	vst v63  }
0xbc: {  	v3 =	vld [tilespmem:$0x70];
	_ =	sdelay $0x4  }
0xbd: {  	v63 =	vshll.u32 v3, $0x3  }
0xbe: {  	v3 =	vand.u32 $0x7, v3;
	v4 =	vand.u32 $0xFFFFFFC0, v63  }
0xbf: {  	v3 =	vor.u32 v3, v4  }
0xc0: {  	v4 =	vperm.xlane v3, v0;
	_ =	sdelay $0x1  }
0xc1: {  	v4 =	vadd.s32 v1, v4;
	_ =	sdelay $0x3  }
0xc2: {  	s9 =	simm.s32 $0xC080  }
0xc3: {  	[tilespmem:s9], [sflag:$0x2] =	stream.indirect_vreg.gather [hbm4b:s3+s2], $0x80, v4, vm0, $0xb8;
	[tilespmem:$0x10080] =	vst v63  }
0xc4: {  	s22 =	simm.s32 $0xC880;
	v3 =	vperm.xlane v3, v2  }
0xc5: {  	[tilespmem:s22], [sflag:$0x2] =	stream.indirect_vreg.gather [hbm4b:s4+s2], $0x80, v4, vm0, $0xb8;
	[tilespmem:$0x10080] =	vst v63  }
0xc6: {  	v3 =	vadd.s32 v1, v3;
	s9 =	simm.s32 $0xD080  }
0xc7: {  	[tilespmem:s9], [sflag:$0x2] =	stream.indirect_vreg.gather [hbm4b:s5+s2], $0x80, v4, vm0, $0xb8;
	[tilespmem:$0x10080] =	vst v63  }
0xc8: {  	s22 =	simm.s32 $0xD880  }
0xc9: {  	[tilespmem:s22], [sflag:$0x2] =	stream.indirect_vreg.gather [hbm4b:s6+s2], $0x80, v4, vm0, $0xb8;
	[tilespmem:$0x10080] =	vst v63  }
0xca: {  	s9 =	simm.s32 $0xE080  }
0xcb: {  	[tilespmem:s9], [sflag:$0x2] =	stream.indirect_vreg.gather [hbm4b:s3+s2], $0x80, v3, vm0, $0xb8;
	[tilespmem:$0x10080] =	vst v63  }
0xcc: {  	s22 =	simm.s32 $0xE880  }
0xcd: {  	[tilespmem:s22], [sflag:$0x2] =	stream.indirect_vreg.gather [hbm4b:s4+s2], $0x80, v3, vm0, $0xb8;
	[tilespmem:$0x10080] =	vst v63  }
0xce: {  	s9 =	simm.s32 $0xF080  }
0xcf: {  	[tilespmem:s9], [sflag:$0x2] =	stream.indirect_vreg.gather [hbm4b:s5+s2], $0x80, v3, vm0, $0xb8;
	[tilespmem:$0x10080] =	vst v63  }
0xd0: {  	s22 =	simm.s32 $0xF880  }
0xd1: {  	[tilespmem:s22], [sflag:$0x2] =	stream.indirect_vreg.gather [hbm4b:s6+s2], $0x80, v3, vm0, $0xb8;
	[tilespmem:$0x10080] =	vst v63  }
0xd2: {  	_ =	swait.ge [sflag:s8], $0x8000  }
0xd3: {  	[sflag:s8] =	ssyncset.done $0x0  }
0xd4: {  	s0 =	rddreg [dreg:$0x5];
	[sflag:s8] =	ssyncadd.s32 $0xFFFF8000  }
0xd5: {  	[hbm4b:s0+s2] =	stream.linear.scatter [tilespmem:s25], [sflag:$0x3], $0x8000, $0x38;
	[tilespmem:$0x10080] =	vst v63  }
0xd6: {  	_ =	swait.ge [sflag:s20], $0x8000  }
0xd7: {  	[sflag:s20] =	ssyncset.done $0x0  }
0xd8: {  	s9 =	rddreg [dreg:$0x6];
	[sflag:s20] =	ssyncadd.s32 $0xFFFF8000  }
0xd9: {  	[hbm4b:s9+s2] =	stream.linear.scatter [tilespmem:s18], [sflag:$0x4], $0x8000, $0x38;
	[tilespmem:$0x10080] =	vst v63  }
0xda: {  	p0 =	sne.s32 s7, $0x1;
	_ =	swait.ge [sflag:s21], $0x8000  }
.Ltmp0:
0xdb: {  	[sflag:s21] =	ssyncset.done $0x0;
	(pc) =	sbr.rel @p0 .LBB2_1-.Ltmp0, $4  }
0xdc: {  	[sflag:s21] =	ssyncadd.s32 $0xFFFF8000  }
0xdd: {  	_ =	swait.ge [sflag:s19], $0x8000  }
0xde: {  	[sflag:s19] =	ssyncset.done $0x0  }
0xdf: {  	s7 =	sadd.s32 $0xFFFFFFFF, s7;
	[sflag:s19] =	ssyncadd.s32 $0xFFFF8000  }
0xe0: {  	_ =	sfence.sel $0x180000  }
0xe1: {  	[bflag:$0x0] =	sbarrier.arrive $0xFFFF  }
0xe2: {  	_ =	strace $0x9000004A  }
0xe3: {  	s0 =	stileid.u32;
	[bflag:$0x2] =	sbarrier.arrive $0xFFFF  }
0xe4: {  	p0 =	sne.s32 s0, $0x0;
	s0 =	rddreg [dreg:$0x1]  }
0xe5: {  	s0 =	sadd.s32 @!p0 $0x100000, s0  }
0xe6: {  	[sflag:s0] =	ssyncadd.tile.s32 @!p0 $0x1;
	_ =	shalt  }
.Lfunc_end2:
_tile_overlayer_lowered:
.L_overlay_start_2:
0xe7: {  	(tag) =	ssettag $0x2  }
0xe8: {  	s0 =	rddreg [dreg:$0x0];
	s2 =	stileid.u32  }
0xe9: {  	s1 =	rddreg [dreg:$0x1];
	p0 =	sne.s32 s2, $0x0  }
0xea: {  	s3 =	rddreg [dreg:$0x2];
	[bflag:$0x3] =	sbarrier.arrive $0xFFFF;
	s2 =	simm.s32 @!p0 $0x1C05  }
0xeb: {  	[timem:s3], [sflag:s2] =	dma.local @!p0 [hbm:s0], s1  }
0xec: {  	s0 =	simm.s32 @!p0 $0x5  }
0xed: {  	_ =	swait.ge @!p0 [sflag:s0], s1  }
0xee: {  	s1 =	ssub.s32 @!p0 $0x0, s1;
	[sflag:s0] =	ssyncset.done @!p0 $0x0  }
0xef: {  	[sflag:s0] =	ssyncadd.s32 @!p0 s1  }
0xf0: {  	[bflag:$0x3] =	sbarrier.arrive $0xFFFF  }
0xf1: {  	_ =	shalt  }

// kernel: kernel.7.cloned.1.call-start
scs
__scs_entry_jumppad:
0x0: {  	(pc) =	sbr.rel $0x88, $3  }
0x1: {  	(tag) =	ssettag $0x0;
	lr =	simm.s32 $0x1  }
0x2: {  	[smem:$0x3F9A] =	sst lr;
	_ =	strace $0xD0000000  }
0x3: {  	_ = 	snop  }
0x4: {  	_ = 	snop  }
0x5: {  	_ = 	snop  }
0x6: {  	_ = 	snop  }
0x7: {  	_ = 	snop  }
__scs_overlays_trampoline_lowered:
0x8: {  	[smem:$0x3FA9] =	sst s0  }
0x9: {  	[smem:$0x3FAA] =	sst s1  }
0xa: {  	[smem:$0x3FAB] =	sst s2  }
0xb: {  	[smem:$0x3FAC] =	sst s3  }
0xc: {  	[smem:$0x3FAD] =	sst s4  }
0xd: {  	[smem:$0x3FAE] =	sst s5  }
0xe: {  	[smem:$0x3FAF] =	sst s6  }
0xf: {  	[smem:$0x3FB0] =	sst s7  }
0x10: {  	[smem:$0x3FB1] =	sst s8  }
0x11: {  	[smem:$0x3FB2] =	sst s9;
	s0 =	simm.s32 @!p0 $0x0  }
0x12: {  	s1 =	sld [smem:$0x3F98];
	s0 =	simm.s32 @p0 $0x1  }
0x13: {  	[smem:$0x3FB3] =	sst s0;
	s0 =	simm.s32 @!p1 $0x0  }
0x14: {  	s2 =	sld [smem:$0x3F97];
	s0 =	simm.s32 @p1 $0x1  }
0x15: {  	[smem:$0x3FB4] =	sst s0;
	s0 =	simm.s32 @!p2 $0x0  }
0x16: {  	s3 =	sld [smem:$0x3FDB];
	s0 =	simm.s32 @p2 $0x1  }
0x17: {  	s4 =	simm.s32 $0x1BF5;
	[smem:$0x3FB6] =	sst s0  }
0x18: {  	s0 =	sld [smem:$0x3F99];
	_ =	swait.ge [sflag:s4], $0x0  }
0x19: {  	s7 =	sld [smem:$0x3F9A]  }
0x1a: {  	s8 =	sadd.s32 $0xFFFFE003, lr  }
0x1b: {  	s9 =	sadd.s32 $0xFFFFFEF7, lr;
	s5 =	simm.s32 $0xFFFFFFFF;
	p2 =	slt.u32 s8, $0xFFFFF086  }
0x1c: {  	p1 =	slt.u32 s9, $0xF7A;
	s5 =	simm.s32 @!p2 $0x0  }
0x1d: {  	s5 =	simm.s32 @p1 $0x1;
	p0 =	seq.s32 s7, s2  }
0x1e: {  	s7 =	smul.u32 @!p0 $0xF7A, s2;
	p2 =	seq.s32 @!p0 s5, $0x0  }
0x1f: {  	s9 =	smul.u32 $0xF7A, s1;
	s8 =	simm.s32 @!p0 $0x1BF5;
	p2 =	por !p2, p0  }
0x20: {  	[sflag:s8] =	ssyncset.s32 @!p0 $0xFFFFF086;
	s6 =	sadd.s32 @!p0 s3, s7;
	s7 =	simm.s32 @!p0 $0x108  }
0x21: {  	s3 =	sadd.s32 s3, s9;
	s6 =	sadd.s32 @!p0 $0x88, s6;
	s7 =	simm.s32 @p2 $0x1082  }
0x22: {  	[simem:s7], [sflag:s8] =	dma.local @!p0 [hbm:s6], $0xF7A  }
0x23: {  	s9 =	sor.u32 $0xD0000000, s2;
	s6 =	simm.s32 $0x108;
	_ =	swait.ge @!p0 [sflag:s8], $0x0  }
0x24: {  	s3 =	sadd.s32 $0x88, s3;
	s6 =	simm.s32 @!p1 $0x1082;
	[sflag:s4] =	ssyncset.s32 $0xFFFFF086  }
0x25: {  	[simem:s6], [sflag:s4] =	dma.local [hbm:s3], $0xF7A  }
0x26: {  	[smem:$0x3F9A] =	sst s1;
	(tag) =	ssettag s2;
	_ =	strace s9  }
0x27: {  	s1 =	sld [smem:$0x3FAA]  }
0x28: {  	s2 =	sld [smem:$0x3FAB]  }
0x29: {  	s4 =	sld [smem:$0x3FAD]  }
0x2a: {  	p0 =	seq.s32 s5, $0x0;
	s5 =	sld [smem:$0x3FAE]  }
0x2b: {  	s6 =	sld [smem:$0x3FAF]  }
0x2c: {  	s7 =	sld [smem:$0x3FB0]  }
0x2d: {  	s3 =	simm.s32 $0x108;
	s8 =	sld [smem:$0x3FB1]  }
0x2e: {  	s3 =	simm.s32 @!p0 $0x1082;
	s9 =	sld [smem:$0x3FB2]  }
0x2f: {  	lr =	sadd.s32 s0, s3;
	s0 =	sld [smem:$0x3FA9]  }
0x30: {  	s3 =	sld [smem:$0x3FAC]  }
0x31: {  	[smem:$0x3FB5] =	sst s10  }
0x32: {  	s10 =	sld [smem:$0x3FB3];
	_ =	sdelay $0x3  }
0x33: {  	p0 =	seq.s32 s10, $0x1;
	s10 =	sld [smem:$0x3FB5];
	_ =	sdelay $0x3  }
0x34: {  	[smem:$0x3FB5] =	sst s10  }
0x35: {  	s10 =	sld [smem:$0x3FB4];
	_ =	sdelay $0x3  }
0x36: {  	p1 =	seq.s32 s10, $0x1;
	s10 =	sld [smem:$0x3FB5];
	_ =	sdelay $0x3  }
0x37: {  	[smem:$0x3FB5] =	sst s10  }
0x38: {  	s10 =	sld [smem:$0x3FB6]  }
0x39: {  	_ = 	snop;
	(pc) =	sbr.ind lr, $3  }
0x3a: {  	_ = 	snop  }
0x3b: {  	_ = 	snop  }
0x3c: {  	p2 =	seq.s32 s10, $0x1;
	s10 =	sld [smem:$0x3FB5]  }
0x3d: {  	_ =	shalt  }
0x3e: {  	_ =	shalt  }
0x3f: {  	_ =	shalt  }
0x40: {  	_ =	shalt  }
0x41: {  	_ =	shalt  }
0x42: {  	_ =	shalt  }
0x43: {  	_ =	shalt  }
0x44: {  	_ =	shalt  }
0x45: {  	_ =	shalt  }
0x46: {  	_ =	shalt  }
0x47: {  	_ =	shalt  }
0x48: {  	_ =	shalt  }
0x49: {  	_ =	shalt  }
0x4a: {  	_ =	shalt  }
0x4b: {  	_ =	shalt  }
0x4c: {  	_ =	shalt  }
0x4d: {  	_ =	shalt  }
0x4e: {  	_ =	shalt  }
0x4f: {  	_ =	shalt  }
0x50: {  	_ =	shalt  }
0x51: {  	_ =	shalt  }
0x52: {  	_ =	shalt  }
0x53: {  	_ =	shalt  }
0x54: {  	_ =	shalt  }
0x55: {  	_ =	shalt  }
0x56: {  	_ =	shalt  }
0x57: {  	_ =	shalt  }
0x58: {  	_ =	shalt  }
0x59: {  	_ =	shalt  }
0x5a: {  	_ =	shalt  }
0x5b: {  	_ =	shalt  }
0x5c: {  	_ =	shalt  }
0x5d: {  	_ =	shalt  }
0x5e: {  	_ =	shalt  }
0x5f: {  	_ =	shalt  }
0x60: {  	_ =	shalt  }
0x61: {  	_ =	shalt  }
0x62: {  	_ =	shalt  }
0x63: {  	_ =	shalt  }
0x64: {  	_ =	shalt  }
0x65: {  	_ =	shalt  }
0x66: {  	_ =	shalt  }
0x67: {  	_ =	shalt  }
0x68: {  	_ =	shalt  }
0x69: {  	_ =	shalt  }
0x6a: {  	_ =	shalt  }
0x6b: {  	_ =	shalt  }
0x6c: {  	_ =	shalt  }
0x6d: {  	_ =	shalt  }
0x6e: {  	_ =	shalt  }
0x6f: {  	_ =	shalt  }
0x70: {  	_ =	shalt  }
0x71: {  	_ =	shalt  }
0x72: {  	_ =	shalt  }
0x73: {  	_ =	shalt  }
0x74: {  	_ =	shalt  }
0x75: {  	_ =	shalt  }
0x76: {  	_ =	shalt  }
0x77: {  	_ =	shalt  }
0x78: {  	_ =	shalt  }
0x79: {  	_ =	shalt  }
0x7a: {  	_ =	shalt  }
0x7b: {  	_ =	shalt  }
0x7c: {  	_ =	shalt  }
0x7d: {  	_ =	shalt  }
0x7e: {  	_ =	shalt  }
0x7f: {  	_ =	shalt  }
0x80: {  	_ =	shalt  }
0x81: {  	_ =	shalt  }
0x82: {  	_ =	shalt  }
0x83: {  	_ =	shalt  }
0x84: {  	_ =	shalt  }
0x85: {  	_ =	shalt  }
0x86: {  	_ =	shalt  }
0x87: {  	_ =	shalt  }
.Lfunc_end0:
.L_simem_size_0:
called_computation_lowered:
.L_overlay_start_0:
0x88: {  	s2 =	sld [smem:$0x3FD9]  }
0x89: {  	s3 =	sld [smem:$0x3FFE];
	_ =	sdelay $0x1  }
0x8a: {  	s1 =	srdreg.scid  }
0x8b: {  	s0 =	sand.u32 $0x1, s1  }
0x8c: {  	s17 =	sshll.u32 s0, $0xA;
	s2 =	sadd.s32 s3, s2  }
0x8d: {  	s2 =	sadd.s32 s2, s17  }
0x8e: {  	[smem:$0x3FC1] =	sst s2  }
0x8f: {  	_ = 	snop  }
0x90: {  	s2 =	sld [smem:$0x3FC9];
	(tm) =	ssettm $0x1  }
0x91: {  	s18 =	sld [smem:$0x3FFB];
	_ =	sdelay $0x3  }
0x92: {  	_ =	strace s18  }
0x93: {  	s3 =	sld [smem:$0x3FFC];
	_ =	sdelay $0x3  }
0x94: {  	_ =	strace s3  }
0x95: {  	s3 =	sld [smem:$0x3FFD];
	_ =	sdelay $0x3  }
0x96: {  	_ =	strace s3  }
0x97: {  	_ =	strace $0x8FFFFFFF  }
0x98: {  	s19 =	sld [smem:$0x3FDB];
	_ =	sdelay $0x1  }
0x99: {  	s4 =	simm.s32 $_scs_section_size  }
0x9a: {  	s5 =	simm.s32 $_size__tile_overlayer_lowered;
	s6 =	simm.s32 $_tile_overlayer_lowered  }
0x9b: {  	s22 =	simm.s32 $0x1BFF;
	s21 =	sshll.u32 s6, $0x1;
	s3 =	sadd.s32 s4, s19  }
0x9c: {  	s7 =	simm.s32 $0x0;
	s20 =	sshll.u32 s5, $0x1;
	s5 =	sadd.s32 s21, s3  }
0x9d: {  	[timem:s7], [sflag:s22] =	dma.local [hbm:s5], s20  }
0x9e: {  	_ =	swait.ge [sflag:s22], s20  }
0x9f: {  	s4 =	ssub.s32 $0x0, s20;
	[sflag:s22] =	ssyncset.done $0x0  }
0xa0: {  	[sflag:s22] =	ssyncadd.s32 s4;
	_ =	sdelay $0x1  }
0xa1: {  	s23 =	simm.s32 $0x1B8B  }
0xa2: {  	_ =	swait.ge [sflag:s23], $0x1  }
0xa3: {  	[sflag:s23] =	ssyncset.done $0x0  }
0xa4: {  	s25 =	simm.s32 $0x1B8E;
	s24 =	sld [smem:$0x3FFE];
	[sflag:s23] =	ssyncadd.s32 $0xFFFFFFFF  }
0xa5: {  	s26 =	simm.s32 $execute0_lowered;
	[smem:$0x3FD2] =	sst s25  }
0xa6: {  	s5 =	sshll.u32 s26, $0x1;
	_ =	strace $0x80000046;
	[dreg:$0x1] =	wrdreg $0xFFFFFFFF  }
0xa7: {  	s28 =	simm.s32 $_size_execute0_lowered;
	s3 =	sadd.s32 s3, s5;
	[dreg:$0x0] =	wrdreg $0x0  }
0xa8: {  	s5 =	sshll.u32 s28, $0x1;
	[dreg:$0x2] =	wrdreg s3  }
0xa9: {  	[dreg:$0x3] =	wrdreg s5  }
0xaa: {  	[dreg:$0x4] =	wrdreg $0xC0  }
0xab: {  	_ =	task [dreg:s7], $0x5FFFF  }
0xac: {  	[dreg:$0x1] =	wrdreg $0xFFFFFFFF  }
0xad: {  	[dreg:$0x0] =	wrdreg $0x60  }
0xae: {  	[dreg:$0x2] =	wrdreg s2  }
0xaf: {  	[dreg:$0x3] =	wrdreg s24  }
0xb0: {  	[dreg:$0x4] =	wrdreg $0x9  }
0xb1: {  	_ =	task.clear_ibuf [dreg:s7], $0x5FFFF;
	_ =	strace $0x90000046  }
0xb2: {  	s29 =	simm.s32 $0x9;
	_ =	strace $0x80000048  }
0xb3: {  	_ =	swait.ge [sflag:s29], $0x1  }
0xb4: {  	[sflag:s29] =	ssyncadd.s32 $0xFFFFFFFF  }
0xb5: {  	_ =	strace $0x90000048  }
0xb6: {  	_ =	sfence  }
0xb7: {  	s30 =	sld [smem:$0x0];
	_ =	sdelay $0x2  }
0xb8: {  	s31 =	sshll.u32 s1, $0xD;
	s1 =	sshrl.u32 s1, $0x2  }
0xb9: {  	s3 =	sand.u32 $0x4000, s31;
	s1 =	sadd.s32 s1, s30  }
0xba: {  	s0 =	sor.u32 s3, s0;
	s1 =	sshll.u32 s1, $0x11  }
0xbb: {  	s0 =	sor.u32 s1, s0  }
0xbc: {  	s0 =	sadd.s32 $0x8F2B, s0  }
0xbd: {  	[sflag:s0] =	ssyncadd.remote.s32 $0x1  }
0xbe: {  	_ =	sfence.sel $0xFFFF  }
0xbf: {  	[dreg:$0x0] =	wrdreg $0xFFFFFFFF;
	(pc) =	sbr.abs _section_cstart, $3  }
0xc0: {  	[dreg:$0x1] =	wrdreg $0xFFFFFFFF  }
0xc1: {  	_ =	task.clear_ibuf [dreg:s7], $0x2FFFF;
	_ =	strace $0x9FFFFFFF  }
0xc2: {  	(tm) =	ssettm $0x7FFFFFFF  }
0xc3: {  	_ =	shalt  }
tec
execute0_lowered:
.L_overlay_start_1:
0x0: {  	(tag) =	ssettag $0x1  }
0x1: {  	s0 =	srdreg.scid  }
0x2: {  	s1 =	stileid.u32;
	s2 =	rddreg [dreg:$0x0]  }
0x3: {  	s4 =	rddreg [dreg:$0x1];
	s3 =	simm.s32 $0x0;
	s18 =	simm.s32 $0x900  }
0x4: {  	s19 =	simm.s32 $0x1100;
	s20 =	simm.s32 $0x1900;
	s21 =	simm.s32 $0x2100  }
0x5: {  	s22 =	simm.s32 $0x2900;
	s23 =	simm.s32 $0x3100;
	s24 =	simm.s32 $0x3900  }
0x6: {  	s25 =	simm.s32 $0x4100;
	s28 =	simm.s32 $0x5100;
	s29 =	simm.s32 $0x5900  }
0x7: {  	s30 =	simm.s32 $0x6100;
	s31 =	simm.s32 $0x6900;
	s12 =	simm.s32 $0x8900  }
0x8: {  	s11 =	simm.s32 $0xA100;
	s0 =	sand.u32 $0x1, s0;
	s1 =	sshll.u32 s1, $0x1  }
0x9: {  	s13 =	simm.s32 $0xA900;
	s14 =	simm.s32 $0xB100;
	s1 =	sor.u32 s0, s1  }
0xa: {  	s15 =	simm.s32 $0xB900;
	s16 =	simm.s32 $0xC100;
	s5 =	smul.u32 $0x18, s1  }
0xb: {  	[smem:$0x7FF] =	sst s3;
	s0 =	ssub.s32 $0x2, s0;
	s6 =	smul.u32 $0x6000, s1  }
0xc: {  	_ =	strace $0x80000047;
	s1 =	smul.u32 $0x30000, s1;
	s7 =	sshrl.u32 s0, $0x1  }
0xd: {  	s0 =	ssub.s32 s0, s7;
	s7 =	sadd.s32 $0x300, s2;
	s5 =	sadd.s32 s5, s4  }
0xe: {  	s4 =	sadd.s32 $0x25000, s4;
	s1 =	sshrl.u32 s1, $0x3;
	s5 =	sadd.s32 $0xE00, s5  }
0xf: {  	s10 =	smax.u32 s0, $0x1;
	s6 =	sadd.s32 s4, s6;
	[dreg:$0x3] =	wrdreg s5  }
0x10: {  	s1 =	sadd.s32 s4, s1;
	[dreg:$0x7] =	wrdreg s6;
	s26 =	sadd.s32 $0x1800, s6  }
0x11: {  	v2 =	vlaneseq.u32;
	s4 =	sadd.s32 $0x3000, s1;
	s5 =	sadd.s32 $0x100, s2;
	[dreg:$0x4] =	wrdreg s26  }
0x12: {  	vm0 =	vmmov $0xffff;
	v1 =	vshrl.u32 v2, $0x3;
	s1 =	sadd.s32 $0x4800, s1;
	s6 =	sadd.s32 $0x200, s2;
	[dreg:$0x5] =	wrdreg s4  }
0x13: {  	v0 =	vand.u32 $0x7, v2;
	v2 =	vor.u32 $0x8, v2;
	v1 =	vmul.u32 $0x8, v1;
	[dreg:$0x6] =	wrdreg s1;
	s26 =	simm.s32 $0x4900;
	s1 =	simm.s32 $0x3  }
.LBB2_1:
0x14: {  	s17 =	rddreg [dreg:$0x3];
	s0 =	simm.s32 $0x5  }
0x15: {  	[tilespmem:s3], [sflag:$0x5] =	stream.linear.gather [hbm4b:s17+s3], $0xC0, $0x38;
	[tilespmem:$0x18100] =	vst v63  }
0x16: {  	_ =	swait.ge [sflag:s0], $0xC0  }
0x17: {  	[sflag:s0] =	ssyncset.done $0x0  }
0x18: {  	[sflag:s0] =	ssyncadd.s32 $0xFFFFFF40  }
0x19: {  	v3 =	vld [tilespmem:$0x0];
	_ =	sdelay $0x4  }
0x1a: {  	v4 =	vshll.u32 v3, $0x3  }
0x1b: {  	v3 =	vand.u32 $0x7, v3;
	v4 =	vand.u32 $0xFFFFFFC0, v4  }
0x1c: {  	v3 =	vor.u32 v3, v4  }
0x1d: {  	v4 =	vperm.xlane v3, v0;
	_ =	sdelay $0x1  }
0x1e: {  	v4 =	vadd.s32 v1, v4;
	_ =	sdelay $0x3  }
0x1f: {  	s4 =	simm.s32 $0x100  }
0x20: {  	[tilespmem:s4], [sflag:$0x1] =	stream.indirect_vreg.gather [hbm4b:s2+s3], $0x80, v4, vm0, $0xb8;
	[tilespmem:$0x18100] =	vst v63  }
0x21: {  	v3 =	vperm.xlane v3, v2  }
0x22: {  	[tilespmem:s18], [sflag:$0x1] =	stream.indirect_vreg.gather [hbm4b:s5+s3], $0x80, v4, vm0, $0xb8;
	[tilespmem:$0x18100] =	vst v63  }
0x23: {  	v3 =	vadd.s32 v1, v3  }
0x24: {  	[tilespmem:s19], [sflag:$0x1] =	stream.indirect_vreg.gather [hbm4b:s6+s3], $0x80, v4, vm0, $0xb8;
	[tilespmem:$0x18100] =	vst v63  }
0x25: {  	_ = 	snop  }
0x26: {  	[tilespmem:s20], [sflag:$0x1] =	stream.indirect_vreg.gather [hbm4b:s7+s3], $0x80, v4, vm0, $0xb8;
	[tilespmem:$0x18100] =	vst v63  }
0x27: {  	_ = 	snop  }
0x28: {  	[tilespmem:s21], [sflag:$0x1] =	stream.indirect_vreg.gather [hbm4b:s2+s3], $0x80, v3, vm0, $0xb8;
	[tilespmem:$0x18100] =	vst v63  }
0x29: {  	_ = 	snop  }
0x2a: {  	[tilespmem:s22], [sflag:$0x1] =	stream.indirect_vreg.gather [hbm4b:s5+s3], $0x80, v3, vm0, $0xb8;
	[tilespmem:$0x18100] =	vst v63  }
0x2b: {  	_ = 	snop  }
0x2c: {  	[tilespmem:s23], [sflag:$0x1] =	stream.indirect_vreg.gather [hbm4b:s6+s3], $0x80, v3, vm0, $0xb8;
	[tilespmem:$0x18100] =	vst v63  }
0x2d: {  	_ = 	snop  }
0x2e: {  	[tilespmem:s24], [sflag:$0x1] =	stream.indirect_vreg.gather [hbm4b:s7+s3], $0x80, v3, vm0, $0xb8;
	[tilespmem:$0x18100] =	vst v63  }
0x2f: {  	v3 =	vld [tilespmem:$0x10];
	_ =	sdelay $0x4  }
0x30: {  	v53 =	vshll.u32 v3, $0x3  }
0x31: {  	v3 =	vand.u32 $0x7, v3;
	v4 =	vand.u32 $0xFFFFFFC0, v53  }
0x32: {  	v3 =	vor.u32 v3, v4  }
0x33: {  	v4 =	vperm.xlane v3, v0;
	_ =	sdelay $0x1  }
0x34: {  	v4 =	vadd.s32 v1, v4;
	_ =	sdelay $0x4  }
0x35: {  	[tilespmem:s25], [sflag:$0x1] =	stream.indirect_vreg.gather [hbm4b:s2+s3], $0x80, v4, vm0, $0xb8;
	[tilespmem:$0x18100] =	vst v63  }
0x36: {  	v3 =	vperm.xlane v3, v2  }
0x37: {  	[tilespmem:s26], [sflag:$0x1] =	stream.indirect_vreg.gather [hbm4b:s5+s3], $0x80, v4, vm0, $0xb8;
	[tilespmem:$0x18100] =	vst v63  }
0x38: {  	v3 =	vadd.s32 v1, v3  }
0x39: {  	[tilespmem:s28], [sflag:$0x1] =	stream.indirect_vreg.gather [hbm4b:s6+s3], $0x80, v4, vm0, $0xb8;
	[tilespmem:$0x18100] =	vst v63  }
0x3a: {  	_ = 	snop  }
0x3b: {  	[tilespmem:s29], [sflag:$0x1] =	stream.indirect_vreg.gather [hbm4b:s7+s3], $0x80, v4, vm0, $0xb8;
	[tilespmem:$0x18100] =	vst v63  }
0x3c: {  	_ = 	snop  }
0x3d: {  	[tilespmem:s30], [sflag:$0x1] =	stream.indirect_vreg.gather [hbm4b:s2+s3], $0x80, v3, vm0, $0xb8;
	[tilespmem:$0x18100] =	vst v63  }
0x3e: {  	_ = 	snop  }
0x3f: {  	[tilespmem:s31], [sflag:$0x1] =	stream.indirect_vreg.gather [hbm4b:s5+s3], $0x80, v3, vm0, $0xb8;
	[tilespmem:$0x18100] =	vst v63  }
0x40: {  	s8 =	simm.s32 $0x7100  }
0x41: {  	[tilespmem:s8], [sflag:$0x1] =	stream.indirect_vreg.gather [hbm4b:s6+s3], $0x80, v3, vm0, $0xb8;
	[tilespmem:$0x18100] =	vst v63  }
0x42: {  	s9 =	simm.s32 $0x7900  }
0x43: {  	[tilespmem:s9], [sflag:$0x1] =	stream.indirect_vreg.gather [hbm4b:s7+s3], $0x80, v3, vm0, $0xb8;
	[tilespmem:$0x18100] =	vst v63  }
0x44: {  	v3 =	vld [tilespmem:$0x20];
	_ =	sdelay $0x4  }
0x45: {  	v54 =	vshll.u32 v3, $0x3  }
0x46: {  	v3 =	vand.u32 $0x7, v3;
	v4 =	vand.u32 $0xFFFFFFC0, v54  }
0x47: {  	v3 =	vor.u32 v3, v4  }
0x48: {  	v4 =	vperm.xlane v3, v0;
	_ =	sdelay $0x1  }
0x49: {  	v4 =	vadd.s32 v1, v4;
	_ =	sdelay $0x3  }
0x4a: {  	s4 =	simm.s32 $0x8100  }
0x4b: {  	[tilespmem:s4], [sflag:$0x1] =	stream.indirect_vreg.gather [hbm4b:s2+s3], $0x80, v4, vm0, $0xb8;
	[tilespmem:$0x18100] =	vst v63  }
0x4c: {  	v3 =	vperm.xlane v3, v2  }
0x4d: {  	[tilespmem:s12], [sflag:$0x1] =	stream.indirect_vreg.gather [hbm4b:s5+s3], $0x80, v4, vm0, $0xb8;
	[tilespmem:$0x18100] =	vst v63  }
0x4e: {  	s9 =	simm.s32 $0x9100;
	v3 =	vadd.s32 v1, v3  }
0x4f: {  	[tilespmem:s9], [sflag:$0x1] =	stream.indirect_vreg.gather [hbm4b:s6+s3], $0x80, v4, vm0, $0xb8;
	[tilespmem:$0x18100] =	vst v63  }
0x50: {  	s17 =	simm.s32 $0x9900  }
0x51: {  	[tilespmem:s17], [sflag:$0x1] =	stream.indirect_vreg.gather [hbm4b:s7+s3], $0x80, v4, vm0, $0xb8;
	[tilespmem:$0x18100] =	vst v63  }
0x52: {  	_ = 	snop  }
0x53: {  	[tilespmem:s11], [sflag:$0x1] =	stream.indirect_vreg.gather [hbm4b:s2+s3], $0x80, v3, vm0, $0xb8;
	[tilespmem:$0x18100] =	vst v63  }
0x54: {  	_ = 	snop  }
0x55: {  	[tilespmem:s13], [sflag:$0x1] =	stream.indirect_vreg.gather [hbm4b:s5+s3], $0x80, v3, vm0, $0xb8;
	[tilespmem:$0x18100] =	vst v63  }
0x56: {  	_ = 	snop  }
0x57: {  	[tilespmem:s14], [sflag:$0x1] =	stream.indirect_vreg.gather [hbm4b:s6+s3], $0x80, v3, vm0, $0xb8;
	[tilespmem:$0x18100] =	vst v63  }
0x58: {  	_ = 	snop  }
0x59: {  	[tilespmem:s15], [sflag:$0x1] =	stream.indirect_vreg.gather [hbm4b:s7+s3], $0x80, v3, vm0, $0xb8;
	[tilespmem:$0x18100] =	vst v63  }
0x5a: {  	v3 =	vld [tilespmem:$0x30];
	_ =	sdelay $0x4  }
0x5b: {  	v55 =	vshll.u32 v3, $0x3  }
0x5c: {  	v3 =	vand.u32 $0x7, v3;
	v4 =	vand.u32 $0xFFFFFFC0, v55  }
0x5d: {  	v3 =	vor.u32 v3, v4  }
0x5e: {  	v4 =	vperm.xlane v3, v0;
	_ =	sdelay $0x1  }
0x5f: {  	v4 =	vadd.s32 v1, v4;
	_ =	sdelay $0x4  }
0x60: {  	[tilespmem:s16], [sflag:$0x2] =	stream.indirect_vreg.gather [hbm4b:s2+s3], $0x80, v4, vm0, $0xb8;
	[tilespmem:$0x18100] =	vst v63  }
0x61: {  	s8 =	simm.s32 $0xC900;
	v3 =	vperm.xlane v3, v2  }
0x62: {  	[tilespmem:s8], [sflag:$0x2] =	stream.indirect_vreg.gather [hbm4b:s5+s3], $0x80, v4, vm0, $0xb8;
	[tilespmem:$0x18100] =	vst v63  }
0x63: {  	s17 =	simm.s32 $0xD100;
	v3 =	vadd.s32 v1, v3  }
0x64: {  	[tilespmem:s17], [sflag:$0x2] =	stream.indirect_vreg.gather [hbm4b:s6+s3], $0x80, v4, vm0, $0xb8;
	[tilespmem:$0x18100] =	vst v63  }
0x65: {  	s8 =	simm.s32 $0xD900  }
0x66: {  	[tilespmem:s8], [sflag:$0x2] =	stream.indirect_vreg.gather [hbm4b:s7+s3], $0x80, v4, vm0, $0xb8;
	[tilespmem:$0x18100] =	vst v63  }
0x67: {  	s17 =	simm.s32 $0xE100  }
0x68: {  	[tilespmem:s17], [sflag:$0x2] =	stream.indirect_vreg.gather [hbm4b:s2+s3], $0x80, v3, vm0, $0xb8;
	[tilespmem:$0x18100] =	vst v63  }
0x69: {  	s8 =	simm.s32 $0xE900  }
0x6a: {  	[tilespmem:s8], [sflag:$0x2] =	stream.indirect_vreg.gather [hbm4b:s5+s3], $0x80, v3, vm0, $0xb8;
	[tilespmem:$0x18100] =	vst v63  }
0x6b: {  	s17 =	simm.s32 $0xF100  }
0x6c: {  	[tilespmem:s17], [sflag:$0x2] =	stream.indirect_vreg.gather [hbm4b:s6+s3], $0x80, v3, vm0, $0xb8;
	[tilespmem:$0x18100] =	vst v63  }
0x6d: {  	s8 =	simm.s32 $0xF900  }
0x6e: {  	[tilespmem:s8], [sflag:$0x2] =	stream.indirect_vreg.gather [hbm4b:s7+s3], $0x80, v3, vm0, $0xb8;
	[tilespmem:$0x18100] =	vst v63  }
0x6f: {  	v3 =	vld [tilespmem:$0x40];
	_ =	sdelay $0x4  }
0x70: {  	v56 =	vshll.u32 v3, $0x3  }
0x71: {  	v3 =	vand.u32 $0x7, v3;
	v4 =	vand.u32 $0xFFFFFFC0, v56  }
0x72: {  	v3 =	vor.u32 v3, v4  }
0x73: {  	v4 =	vperm.xlane v3, v0;
	_ =	sdelay $0x1  }
0x74: {  	v4 =	vadd.s32 v1, v4;
	_ =	sdelay $0x3  }
0x75: {  	s17 =	simm.s32 $0x10100  }
0x76: {  	[tilespmem:s17], [sflag:$0x2] =	stream.indirect_vreg.gather [hbm4b:s2+s3], $0x80, v4, vm0, $0xb8;
	[tilespmem:$0x18100] =	vst v63  }
0x77: {  	s8 =	simm.s32 $0x10900;
	v3 =	vperm.xlane v3, v2  }
0x78: {  	[tilespmem:s8], [sflag:$0x2] =	stream.indirect_vreg.gather [hbm4b:s5+s3], $0x80, v4, vm0, $0xb8;
	[tilespmem:$0x18100] =	vst v63  }
0x79: {  	v3 =	vadd.s32 v1, v3;
	s17 =	simm.s32 $0x11100  }
0x7a: {  	[tilespmem:s17], [sflag:$0x2] =	stream.indirect_vreg.gather [hbm4b:s6+s3], $0x80, v4, vm0, $0xb8;
	[tilespmem:$0x18100] =	vst v63  }
0x7b: {  	s8 =	simm.s32 $0x11900  }
0x7c: {  	[tilespmem:s8], [sflag:$0x2] =	stream.indirect_vreg.gather [hbm4b:s7+s3], $0x80, v4, vm0, $0xb8;
	[tilespmem:$0x18100] =	vst v63  }
0x7d: {  	s17 =	simm.s32 $0x12100  }
0x7e: {  	[tilespmem:s17], [sflag:$0x2] =	stream.indirect_vreg.gather [hbm4b:s2+s3], $0x80, v3, vm0, $0xb8;
	[tilespmem:$0x18100] =	vst v63  }
0x7f: {  	s8 =	simm.s32 $0x12900  }
0x80: {  	[tilespmem:s8], [sflag:$0x2] =	stream.indirect_vreg.gather [hbm4b:s5+s3], $0x80, v3, vm0, $0xb8;
	[tilespmem:$0x18100] =	vst v63  }
0x81: {  	s17 =	simm.s32 $0x13100  }
0x82: {  	[tilespmem:s17], [sflag:$0x2] =	stream.indirect_vreg.gather [hbm4b:s6+s3], $0x80, v3, vm0, $0xb8;
	[tilespmem:$0x18100] =	vst v63  }
0x83: {  	s8 =	simm.s32 $0x13900  }
0x84: {  	[tilespmem:s8], [sflag:$0x2] =	stream.indirect_vreg.gather [hbm4b:s7+s3], $0x80, v3, vm0, $0xb8;
	[tilespmem:$0x18100] =	vst v63  }
0x85: {  	v3 =	vld [tilespmem:$0x50];
	_ =	sdelay $0x4  }
0x86: {  	v57 =	vshll.u32 v3, $0x3  }
0x87: {  	v3 =	vand.u32 $0x7, v3;
	v4 =	vand.u32 $0xFFFFFFC0, v57  }
0x88: {  	v3 =	vor.u32 v3, v4  }
0x89: {  	v4 =	vperm.xlane v3, v0;
	_ =	sdelay $0x1  }
0x8a: {  	v4 =	vadd.s32 v1, v4;
	_ =	sdelay $0x3  }
0x8b: {  	s17 =	simm.s32 $0x14100  }
0x8c: {  	[tilespmem:s17], [sflag:$0x2] =	stream.indirect_vreg.gather [hbm4b:s2+s3], $0x80, v4, vm0, $0xb8;
	[tilespmem:$0x18100] =	vst v63  }
0x8d: {  	s8 =	simm.s32 $0x14900;
	v3 =	vperm.xlane v3, v2  }
0x8e: {  	[tilespmem:s8], [sflag:$0x2] =	stream.indirect_vreg.gather [hbm4b:s5+s3], $0x80, v4, vm0, $0xb8;
	[tilespmem:$0x18100] =	vst v63  }
0x8f: {  	v3 =	vadd.s32 v1, v3;
	s17 =	simm.s32 $0x15100  }
0x90: {  	[tilespmem:s17], [sflag:$0x2] =	stream.indirect_vreg.gather [hbm4b:s6+s3], $0x80, v4, vm0, $0xb8;
	[tilespmem:$0x18100] =	vst v63  }
0x91: {  	s8 =	simm.s32 $0x15900  }
0x92: {  	[tilespmem:s8], [sflag:$0x2] =	stream.indirect_vreg.gather [hbm4b:s7+s3], $0x80, v4, vm0, $0xb8;
	[tilespmem:$0x18100] =	vst v63  }
0x93: {  	s17 =	simm.s32 $0x16100  }
0x94: {  	[tilespmem:s17], [sflag:$0x2] =	stream.indirect_vreg.gather [hbm4b:s2+s3], $0x80, v3, vm0, $0xb8;
	[tilespmem:$0x18100] =	vst v63  }
0x95: {  	s8 =	simm.s32 $0x16900  }
0x96: {  	[tilespmem:s8], [sflag:$0x2] =	stream.indirect_vreg.gather [hbm4b:s5+s3], $0x80, v3, vm0, $0xb8;
	[tilespmem:$0x18100] =	vst v63  }
0x97: {  	s17 =	simm.s32 $0x17100  }
0x98: {  	[tilespmem:s17], [sflag:$0x2] =	stream.indirect_vreg.gather [hbm4b:s6+s3], $0x80, v3, vm0, $0xb8;
	[tilespmem:$0x18100] =	vst v63  }
0x99: {  	s0 =	simm.s32 $0x1;
	s8 =	simm.s32 $0x17900  }
0x9a: {  	[tilespmem:s8], [sflag:$0x2] =	stream.indirect_vreg.gather [hbm4b:s7+s3], $0x80, v3, vm0, $0xb8;
	[tilespmem:$0x18100] =	vst v63  }
0x9b: {  	_ =	swait.ge [sflag:s0], $0xC000  }
0x9c: {  	[sflag:s0] =	ssyncset.done $0x0  }
0x9d: {  	s8 =	simm.s32 $0x100;
	s17 =	rddreg [dreg:$0x7];
	[sflag:s0] =	ssyncadd.s32 $0xFFFF4000  }
0x9e: {  	[hbm4b:s17+s3] =	stream.linear.scatter [tilespmem:s8], [sflag:$0x3], $0xC000, $0x38;
	[tilespmem:$0x18100] =	vst v63  }
0x9f: {  	_ =	swait.ge [sflag:s1], $0xC000  }
0xa0: {  	[sflag:s1] =	ssyncset.done $0x0  }
0xa1: {  	[sflag:s1] =	ssyncadd.s32 $0xFFFF4000  }
0xa2: {  	v3 =	vld [tilespmem:$0x60];
	_ =	sdelay $0x4  }
0xa3: {  	v58 =	vshll.u32 v3, $0x3  }
0xa4: {  	v3 =	vand.u32 $0x7, v3;
	v4 =	vand.u32 $0xFFFFFFC0, v58  }
0xa5: {  	v3 =	vor.u32 v3, v4  }
0xa6: {  	v4 =	vperm.xlane v3, v0;
	_ =	sdelay $0x1  }
0xa7: {  	v4 =	vadd.s32 v1, v4;
	_ =	sdelay $0x4  }
0xa8: {  	[tilespmem:s8], [sflag:$0x1] =	stream.indirect_vreg.gather [hbm4b:s2+s3], $0x80, v4, vm0, $0xb8;
	[tilespmem:$0x18100] =	vst v63  }
0xa9: {  	v3 =	vperm.xlane v3, v2  }
0xaa: {  	[tilespmem:s18], [sflag:$0x1] =	stream.indirect_vreg.gather [hbm4b:s5+s3], $0x80, v4, vm0, $0xb8;
	[tilespmem:$0x18100] =	vst v63  }
0xab: {  	v3 =	vadd.s32 v1, v3  }
0xac: {  	[tilespmem:s19], [sflag:$0x1] =	stream.indirect_vreg.gather [hbm4b:s6+s3], $0x80, v4, vm0, $0xb8;
	[tilespmem:$0x18100] =	vst v63  }
0xad: {  	_ = 	snop  }
0xae: {  	[tilespmem:s20], [sflag:$0x1] =	stream.indirect_vreg.gather [hbm4b:s7+s3], $0x80, v4, vm0, $0xb8;
	[tilespmem:$0x18100] =	vst v63  }
0xaf: {  	_ = 	snop  }
0xb0: {  	[tilespmem:s21], [sflag:$0x1] =	stream.indirect_vreg.gather [hbm4b:s2+s3], $0x80, v3, vm0, $0xb8;
	[tilespmem:$0x18100] =	vst v63  }
0xb1: {  	_ = 	snop  }
0xb2: {  	[tilespmem:s22], [sflag:$0x1] =	stream.indirect_vreg.gather [hbm4b:s5+s3], $0x80, v3, vm0, $0xb8;
	[tilespmem:$0x18100] =	vst v63  }
0xb3: {  	_ = 	snop  }
0xb4: {  	[tilespmem:s23], [sflag:$0x1] =	stream.indirect_vreg.gather [hbm4b:s6+s3], $0x80, v3, vm0, $0xb8;
	[tilespmem:$0x18100] =	vst v63  }
0xb5: {  	_ = 	snop  }
0xb6: {  	[tilespmem:s24], [sflag:$0x1] =	stream.indirect_vreg.gather [hbm4b:s7+s3], $0x80, v3, vm0, $0xb8;
	[tilespmem:$0x18100] =	vst v63  }
0xb7: {  	v3 =	vld [tilespmem:$0x70];
	_ =	sdelay $0x4  }
0xb8: {  	v59 =	vshll.u32 v3, $0x3  }
0xb9: {  	v3 =	vand.u32 $0x7, v3;
	v4 =	vand.u32 $0xFFFFFFC0, v59  }
0xba: {  	v3 =	vor.u32 v3, v4  }
0xbb: {  	v4 =	vperm.xlane v3, v0;
	_ =	sdelay $0x1  }
0xbc: {  	v4 =	vadd.s32 v1, v4;
	_ =	sdelay $0x4  }
0xbd: {  	[tilespmem:s25], [sflag:$0x1] =	stream.indirect_vreg.gather [hbm4b:s2+s3], $0x80, v4, vm0, $0xb8;
	[tilespmem:$0x18100] =	vst v63  }
0xbe: {  	v3 =	vperm.xlane v3, v2  }
0xbf: {  	[tilespmem:s26], [sflag:$0x1] =	stream.indirect_vreg.gather [hbm4b:s5+s3], $0x80, v4, vm0, $0xb8;
	[tilespmem:$0x18100] =	vst v63  }
0xc0: {  	v3 =	vadd.s32 v1, v3  }
0xc1: {  	[tilespmem:s28], [sflag:$0x1] =	stream.indirect_vreg.gather [hbm4b:s6+s3], $0x80, v4, vm0, $0xb8;
	[tilespmem:$0x18100] =	vst v63  }
0xc2: {  	_ = 	snop  }
0xc3: {  	[tilespmem:s29], [sflag:$0x1] =	stream.indirect_vreg.gather [hbm4b:s7+s3], $0x80, v4, vm0, $0xb8;
	[tilespmem:$0x18100] =	vst v63  }
0xc4: {  	_ = 	snop  }
0xc5: {  	[tilespmem:s30], [sflag:$0x1] =	stream.indirect_vreg.gather [hbm4b:s2+s3], $0x80, v3, vm0, $0xb8;
	[tilespmem:$0x18100] =	vst v63  }
0xc6: {  	_ = 	snop  }
0xc7: {  	[tilespmem:s31], [sflag:$0x1] =	stream.indirect_vreg.gather [hbm4b:s5+s3], $0x80, v3, vm0, $0xb8;
	[tilespmem:$0x18100] =	vst v63  }
0xc8: {  	s17 =	simm.s32 $0x7100  }
0xc9: {  	[tilespmem:s17], [sflag:$0x1] =	stream.indirect_vreg.gather [hbm4b:s6+s3], $0x80, v3, vm0, $0xb8;
	[tilespmem:$0x18100] =	vst v63  }
0xca: {  	s17 =	simm.s32 $0x7900  }
0xcb: {  	[tilespmem:s17], [sflag:$0x1] =	stream.indirect_vreg.gather [hbm4b:s7+s3], $0x80, v3, vm0, $0xb8;
	[tilespmem:$0x18100] =	vst v63  }
0xcc: {  	v3 =	vld [tilespmem:$0x80];
	_ =	sdelay $0x4  }
0xcd: {  	v60 =	vshll.u32 v3, $0x3  }
0xce: {  	v3 =	vand.u32 $0x7, v3;
	v4 =	vand.u32 $0xFFFFFFC0, v60  }
0xcf: {  	v3 =	vor.u32 v3, v4  }
0xd0: {  	v4 =	vperm.xlane v3, v0;
	_ =	sdelay $0x1  }
0xd1: {  	v4 =	vadd.s32 v1, v4;
	_ =	sdelay $0x4  }
0xd2: {  	[tilespmem:s4], [sflag:$0x1] =	stream.indirect_vreg.gather [hbm4b:s2+s3], $0x80, v4, vm0, $0xb8;
	[tilespmem:$0x18100] =	vst v63  }
0xd3: {  	v3 =	vperm.xlane v3, v2  }
0xd4: {  	[tilespmem:s12], [sflag:$0x1] =	stream.indirect_vreg.gather [hbm4b:s5+s3], $0x80, v4, vm0, $0xb8;
	[tilespmem:$0x18100] =	vst v63  }
0xd5: {  	v3 =	vadd.s32 v1, v3  }
0xd6: {  	[tilespmem:s9], [sflag:$0x1] =	stream.indirect_vreg.gather [hbm4b:s6+s3], $0x80, v4, vm0, $0xb8;
	[tilespmem:$0x18100] =	vst v63  }
0xd7: {  	s8 =	simm.s32 $0x9900  }
0xd8: {  	[tilespmem:s8], [sflag:$0x1] =	stream.indirect_vreg.gather [hbm4b:s7+s3], $0x80, v4, vm0, $0xb8;
	[tilespmem:$0x18100] =	vst v63  }
0xd9: {  	_ = 	snop  }
0xda: {  	[tilespmem:s11], [sflag:$0x1] =	stream.indirect_vreg.gather [hbm4b:s2+s3], $0x80, v3, vm0, $0xb8;
	[tilespmem:$0x18100] =	vst v63  }
0xdb: {  	_ = 	snop  }
0xdc: {  	[tilespmem:s13], [sflag:$0x1] =	stream.indirect_vreg.gather [hbm4b:s5+s3], $0x80, v3, vm0, $0xb8;
	[tilespmem:$0x18100] =	vst v63  }
0xdd: {  	_ = 	snop  }
0xde: {  	[tilespmem:s14], [sflag:$0x1] =	stream.indirect_vreg.gather [hbm4b:s6+s3], $0x80, v3, vm0, $0xb8;
	[tilespmem:$0x18100] =	vst v63  }
0xdf: {  	s4 =	simm.s32 $0x2  }
0xe0: {  	[tilespmem:s15], [sflag:$0x1] =	stream.indirect_vreg.gather [hbm4b:s7+s3], $0x80, v3, vm0, $0xb8;
	[tilespmem:$0x18100] =	vst v63  }
0xe1: {  	_ =	swait.ge [sflag:s4], $0xC000  }
0xe2: {  	[sflag:s4] =	ssyncset.done $0x0  }
0xe3: {  	s9 =	rddreg [dreg:$0x4];
	[sflag:s4] =	ssyncadd.s32 $0xFFFF4000  }
0xe4: {  	[hbm4b:s9+s3] =	stream.linear.scatter [tilespmem:s16], [sflag:$0x4], $0xC000, $0x38;
	[tilespmem:$0x18100] =	vst v63  }
0xe5: {  	s9 =	simm.s32 $0x4  }
0xe6: {  	_ =	swait.ge [sflag:s9], $0xC000  }
0xe7: {  	[sflag:s9] =	ssyncset.done $0x0  }
0xe8: {  	[sflag:s9] =	ssyncadd.s32 $0xFFFF4000  }
0xe9: {  	v3 =	vld [tilespmem:$0x90];
	_ =	sdelay $0x4  }
0xea: {  	v61 =	vshll.u32 v3, $0x3  }
0xeb: {  	v3 =	vand.u32 $0x7, v3;
	v4 =	vand.u32 $0xFFFFFFC0, v61  }
0xec: {  	v3 =	vor.u32 v3, v4  }
0xed: {  	v4 =	vperm.xlane v3, v0;
	_ =	sdelay $0x1  }
0xee: {  	v4 =	vadd.s32 v1, v4;
	_ =	sdelay $0x4  }
0xef: {  	[tilespmem:s16], [sflag:$0x2] =	stream.indirect_vreg.gather [hbm4b:s2+s3], $0x80, v4, vm0, $0xb8;
	[tilespmem:$0x18100] =	vst v63  }
0xf0: {  	s17 =	simm.s32 $0xC900;
	v3 =	vperm.xlane v3, v2  }
0xf1: {  	[tilespmem:s17], [sflag:$0x2] =	stream.indirect_vreg.gather [hbm4b:s5+s3], $0x80, v4, vm0, $0xb8;
	[tilespmem:$0x18100] =	vst v63  }
0xf2: {  	v3 =	vadd.s32 v1, v3;
	s17 =	simm.s32 $0xD100  }
0xf3: {  	[tilespmem:s17], [sflag:$0x2] =	stream.indirect_vreg.gather [hbm4b:s6+s3], $0x80, v4, vm0, $0xb8;
	[tilespmem:$0x18100] =	vst v63  }
0xf4: {  	s17 =	simm.s32 $0xD900  }
0xf5: {  	[tilespmem:s17], [sflag:$0x2] =	stream.indirect_vreg.gather [hbm4b:s7+s3], $0x80, v4, vm0, $0xb8;
	[tilespmem:$0x18100] =	vst v63  }
0xf6: {  	s17 =	simm.s32 $0xE100  }
0xf7: {  	[tilespmem:s17], [sflag:$0x2] =	stream.indirect_vreg.gather [hbm4b:s2+s3], $0x80, v3, vm0, $0xb8;
	[tilespmem:$0x18100] =	vst v63  }
0xf8: {  	s17 =	simm.s32 $0xE900  }
0xf9: {  	[tilespmem:s17], [sflag:$0x2] =	stream.indirect_vreg.gather [hbm4b:s5+s3], $0x80, v3, vm0, $0xb8;
	[tilespmem:$0x18100] =	vst v63  }
0xfa: {  	s17 =	simm.s32 $0xF100  }
0xfb: {  	[tilespmem:s17], [sflag:$0x2] =	stream.indirect_vreg.gather [hbm4b:s6+s3], $0x80, v3, vm0, $0xb8;
	[tilespmem:$0x18100] =	vst v63  }
0xfc: {  	s17 =	simm.s32 $0xF900  }
0xfd: {  	[tilespmem:s17], [sflag:$0x2] =	stream.indirect_vreg.gather [hbm4b:s7+s3], $0x80, v3, vm0, $0xb8;
	[tilespmem:$0x18100] =	vst v63  }
0xfe: {  	v3 =	vld [tilespmem:$0xA0];
	_ =	sdelay $0x4  }
0xff: {  	v62 =	vshll.u32 v3, $0x3  }
0x100: {  	v3 =	vand.u32 $0x7, v3;
	v4 =	vand.u32 $0xFFFFFFC0, v62  }
0x101: {  	v3 =	vor.u32 v3, v4  }
0x102: {  	v4 =	vperm.xlane v3, v0;
	_ =	sdelay $0x1  }
0x103: {  	v4 =	vadd.s32 v1, v4;
	_ =	sdelay $0x3  }
0x104: {  	s17 =	simm.s32 $0x10100  }
0x105: {  	[tilespmem:s17], [sflag:$0x2] =	stream.indirect_vreg.gather [hbm4b:s2+s3], $0x80, v4, vm0, $0xb8;
	[tilespmem:$0x18100] =	vst v63  }
0x106: {  	v3 =	vperm.xlane v3, v2;
	s17 =	simm.s32 $0x10900  }
0x107: {  	[tilespmem:s17], [sflag:$0x2] =	stream.indirect_vreg.gather [hbm4b:s5+s3], $0x80, v4, vm0, $0xb8;
	[tilespmem:$0x18100] =	vst v63  }
0x108: {  	v3 =	vadd.s32 v1, v3;
	s17 =	simm.s32 $0x11100  }
0x109: {  	[tilespmem:s17], [sflag:$0x2] =	stream.indirect_vreg.gather [hbm4b:s6+s3], $0x80, v4, vm0, $0xb8;
	[tilespmem:$0x18100] =	vst v63  }
0x10a: {  	s17 =	simm.s32 $0x11900  }
0x10b: {  	[tilespmem:s17], [sflag:$0x2] =	stream.indirect_vreg.gather [hbm4b:s7+s3], $0x80, v4, vm0, $0xb8;
	[tilespmem:$0x18100] =	vst v63  }
0x10c: {  	s17 =	simm.s32 $0x12100  }
0x10d: {  	[tilespmem:s17], [sflag:$0x2] =	stream.indirect_vreg.gather [hbm4b:s2+s3], $0x80, v3, vm0, $0xb8;
	[tilespmem:$0x18100] =	vst v63  }
0x10e: {  	s17 =	simm.s32 $0x12900  }
0x10f: {  	[tilespmem:s17], [sflag:$0x2] =	stream.indirect_vreg.gather [hbm4b:s5+s3], $0x80, v3, vm0, $0xb8;
	[tilespmem:$0x18100] =	vst v63  }
0x110: {  	s17 =	simm.s32 $0x13100  }
0x111: {  	[tilespmem:s17], [sflag:$0x2] =	stream.indirect_vreg.gather [hbm4b:s6+s3], $0x80, v3, vm0, $0xb8;
	[tilespmem:$0x18100] =	vst v63  }
0x112: {  	s17 =	simm.s32 $0x13900  }
0x113: {  	[tilespmem:s17], [sflag:$0x2] =	stream.indirect_vreg.gather [hbm4b:s7+s3], $0x80, v3, vm0, $0xb8;
	[tilespmem:$0x18100] =	vst v63  }
0x114: {  	v3 =	vld [tilespmem:$0xB0];
	_ =	sdelay $0x4  }
0x115: {  	v63 =	vshll.u32 v3, $0x3  }
0x116: {  	v3 =	vand.u32 $0x7, v3;
	v4 =	vand.u32 $0xFFFFFFC0, v63  }
0x117: {  	v3 =	vor.u32 v3, v4  }
0x118: {  	v4 =	vperm.xlane v3, v0;
	_ =	sdelay $0x1  }
0x119: {  	v4 =	vadd.s32 v1, v4;
	_ =	sdelay $0x3  }
0x11a: {  	s17 =	simm.s32 $0x14100  }
0x11b: {  	[tilespmem:s17], [sflag:$0x2] =	stream.indirect_vreg.gather [hbm4b:s2+s3], $0x80, v4, vm0, $0xb8;
	[tilespmem:$0x18100] =	vst v63  }
0x11c: {  	v3 =	vperm.xlane v3, v2;
	s17 =	simm.s32 $0x14900  }
0x11d: {  	[tilespmem:s17], [sflag:$0x2] =	stream.indirect_vreg.gather [hbm4b:s5+s3], $0x80, v4, vm0, $0xb8;
	[tilespmem:$0x18100] =	vst v63  }
0x11e: {  	v3 =	vadd.s32 v1, v3;
	s17 =	simm.s32 $0x15100  }
0x11f: {  	[tilespmem:s17], [sflag:$0x2] =	stream.indirect_vreg.gather [hbm4b:s6+s3], $0x80, v4, vm0, $0xb8;
	[tilespmem:$0x18100] =	vst v63  }
0x120: {  	s17 =	simm.s32 $0x15900  }
0x121: {  	[tilespmem:s17], [sflag:$0x2] =	stream.indirect_vreg.gather [hbm4b:s7+s3], $0x80, v4, vm0, $0xb8;
	[tilespmem:$0x18100] =	vst v63  }
0x122: {  	s17 =	simm.s32 $0x16100  }
0x123: {  	[tilespmem:s17], [sflag:$0x2] =	stream.indirect_vreg.gather [hbm4b:s2+s3], $0x80, v3, vm0, $0xb8;
	[tilespmem:$0x18100] =	vst v63  }
0x124: {  	s17 =	simm.s32 $0x16900  }
0x125: {  	[tilespmem:s17], [sflag:$0x2] =	stream.indirect_vreg.gather [hbm4b:s5+s3], $0x80, v3, vm0, $0xb8;
	[tilespmem:$0x18100] =	vst v63  }
0x126: {  	s17 =	simm.s32 $0x17100  }
0x127: {  	[tilespmem:s17], [sflag:$0x2] =	stream.indirect_vreg.gather [hbm4b:s6+s3], $0x80, v3, vm0, $0xb8;
	[tilespmem:$0x18100] =	vst v63  }
0x128: {  	s17 =	simm.s32 $0x17900  }
0x129: {  	[tilespmem:s17], [sflag:$0x2] =	stream.indirect_vreg.gather [hbm4b:s7+s3], $0x80, v3, vm0, $0xb8;
	[tilespmem:$0x18100] =	vst v63  }
0x12a: {  	_ =	swait.ge [sflag:s0], $0xC000  }
0x12b: {  	[sflag:s0] =	ssyncset.done $0x0  }
0x12c: {  	s8 =	simm.s32 $0x100;
	s17 =	rddreg [dreg:$0x5];
	[sflag:s0] =	ssyncadd.s32 $0xFFFF4000  }
0x12d: {  	[hbm4b:s17+s3] =	stream.linear.scatter [tilespmem:s8], [sflag:$0x3], $0xC000, $0x38;
	[tilespmem:$0x18100] =	vst v63  }
0x12e: {  	_ =	swait.ge [sflag:s4], $0xC000  }
0x12f: {  	[sflag:s4] =	ssyncset.done $0x0  }
0x130: {  	s8 =	rddreg [dreg:$0x6];
	[sflag:s4] =	ssyncadd.s32 $0xFFFF4000  }
0x131: {  	[hbm4b:s8+s3] =	stream.linear.scatter [tilespmem:s16], [sflag:$0x4], $0xC000, $0x38;
	[tilespmem:$0x18100] =	vst v63  }
0x132: {  	p0 =	sne.s32 s10, $0x1;
	_ =	swait.ge [sflag:s9], $0xC000  }
.Ltmp0:
0x133: {  	[sflag:s9] =	ssyncset.done $0x0;
	(pc) =	sbr.rel @p0 .LBB2_1-.Ltmp0, $4  }
0x134: {  	[sflag:s9] =	ssyncadd.s32 $0xFFFF4000  }
0x135: {  	_ =	swait.ge [sflag:s1], $0xC000  }
0x136: {  	[sflag:s1] =	ssyncset.done $0x0  }
0x137: {  	s10 =	sadd.s32 $0xFFFFFFFF, s10;
	[sflag:s1] =	ssyncadd.s32 $0xFFFF4000  }
0x138: {  	_ =	sfence.sel $0x180000  }
0x139: {  	[bflag:$0x0] =	sbarrier.arrive $0xFFFF  }
0x13a: {  	_ =	strace $0x90000047  }
0x13b: {  	s0 =	stileid.u32;
	[bflag:$0x2] =	sbarrier.arrive $0xFFFF  }
0x13c: {  	p0 =	sne.s32 s0, $0x0;
	s0 =	rddreg [dreg:$0x2]  }
0x13d: {  	s0 =	sadd.s32 @!p0 $0x100000, s0  }
0x13e: {  	[sflag:s0] =	ssyncadd.tile.s32 @!p0 $0x1;
	_ =	shalt  }
.Lfunc_end2:
_tile_overlayer_lowered:
.L_overlay_start_2:
0x13f: {  	(tag) =	ssettag $0x2  }
0x140: {  	s0 =	rddreg [dreg:$0x0];
	s2 =	stileid.u32  }
0x141: {  	s1 =	rddreg [dreg:$0x1];
	p0 =	sne.s32 s2, $0x0  }
0x142: {  	s3 =	rddreg [dreg:$0x2];
	[bflag:$0x3] =	sbarrier.arrive $0xFFFF;
	s2 =	simm.s32 @!p0 $0x1C05  }
0x143: {  	[timem:s3], [sflag:s2] =	dma.local @!p0 [hbm:s0], s1  }
0x144: {  	s0 =	simm.s32 @!p0 $0x5  }
0x145: {  	_ =	swait.ge @!p0 [sflag:s0], s1  }
0x146: {  	s1 =	ssub.s32 @!p0 $0x0, s1;
	[sflag:s0] =	ssyncset.done @!p0 $0x0  }
0x147: {  	[sflag:s0] =	ssyncadd.s32 @!p0 s1  }
0x148: {  	[bflag:$0x3] =	sbarrier.arrive $0xFFFF  }
0x149: {  	_ =	shalt  }

</sc_bundles>
